<compile_context>
chip_gen: v7x
topology: tpu7x:2x2x1
jax: 0.10.2.dev20260603
libtpu: 0.0.44.dev20260713+nightly
codegen_flags: <defaults>
</compile_context>

<pallas_src>
import functools

import jax
import jax.numpy as jnp
from jax import lax
from jax.experimental import pallas as pl
from jax.experimental.pallas import tpu as pltpu
from jax.experimental.pallas import tpu_sc as plsc

_CHUNK = 16
_NBUF = 7


@functools.cache
def _make_copy_kernel(rows: int, dim: int):
    info = plsc.get_sparse_core_info()
    nc, ns = info.num_cores, info.num_subcores
    nw = nc * ns
    rows_per_w = rows // nw
    nchunks = rows_per_w // _CHUNK
    mesh = plsc.VectorSubcoreMesh(core_axis_name="c", subcore_axis_name="s")

    @functools.partial(
        pl.kernel,
        mesh=mesh,
        out_type=jax.ShapeDtypeStruct((rows, dim), jnp.float32),
        scratch_types=[
            pltpu.VMEM_SHARED((ns, _NBUF, _CHUNK, dim), jnp.float32),
            pltpu.SemaphoreType.DMA((_NBUF,)),
            pltpu.SemaphoreType.DMA((_NBUF,)),
        ],
    )
    def k(emb_hbm, out_hbm, bufs, gsem, ssem):
        sid = lax.axis_index("s")
        wid = sid * nc + lax.axis_index("c")
        base = wid * rows_per_w

        def gather(i, b):
            return pltpu.async_copy(
                emb_hbm.at[pl.ds(base + i * _CHUNK, _CHUNK)],
                bufs.at[sid, b],
                gsem.at[b],
            )

        def scatter(i, b):
            return pltpu.async_copy(
                bufs.at[sid, b],
                out_hbm.at[pl.ds(base + i * _CHUNK, _CHUNK)],
                ssem.at[b],
            )

        g = [None] * nchunks
        s = [None] * nchunks
        for b in range(min(_NBUF, nchunks)):
            g[b] = gather(b, b)
        for i in range(nchunks):
            b = i % _NBUF
            g[i].wait()
            s[i] = scatter(i, b)
            nxt = i + _NBUF
            if nxt < nchunks:
                s[i].wait()
                g[nxt] = gather(nxt, b)
        for i in range(max(0, nchunks - _NBUF), nchunks):
            if s[i] is not None and i + _NBUF >= nchunks:
                s[i].wait()

    return k


def kernel(x, emb_weight):
    rows = x.shape[1]
    return _make_copy_kernel(rows, emb_weight.shape[1])(emb_weight)

# --- scband reference (transcript-rebuilt; emitter-appended) ---
"""Pipeline reference for scband-learned-position-embeddings-3152505995857 (READ-ONLY COPY).

The authoritative reference and input builder live on the scoring server;
editing this copy changes nothing except your own understanding.
"""

import jax, jax.numpy as jnp
import numpy as np

SEQ_LEN = 8192
MODEL_DIM = 1024
INIT = 0.02

def setup_inputs(seed: int = 0) -> dict:
    key = jax.random.key(seed)
    k_x, k_w = jax.random.split(key)
    x = jax.random.normal(k_x, (2, SEQ_LEN, MODEL_DIM), dtype=jnp.float32)
    emb_weight = jax.random.normal(k_w, (SEQ_LEN, MODEL_DIM), dtype=jnp.float32) * INIT
    return {"x": x, "emb_weight": emb_weight}

def reference(x, emb_weight):
    # forward: self.emb(torch.arange(0, x.shape[1]))
    positions = jnp.arange(0, x.shape[1])
    out = jnp.take(emb_weight, positions, axis=0)
    return out

if __name__ == "__main__":
    import jax
    _d = setup_inputs()
    print(jax.jit(kernel)(*tuple(_d.values())))

</pallas_src>

<mosaic_0001>
#map = affine_map<(d0, d1) -> (0, 0)>
module attributes {stable_mosaic.version = 14 : i64} {
  func.func @k(%arg0: i32, %arg1: i32, %arg2: memref<8192x1024xf32, #tpu.memory_space<hbm>>, %arg3: memref<8192x1024xf32, #tpu.memory_space<hbm>>, %arg4: memref<16x7x16x1024xf32, #tpu.memory_space<vmem_shared>>, %arg5: memref<7x!tpu.dma_semaphore, #tpu.memory_space<semaphore_mem>>, %arg6: memref<7x!tpu.dma_semaphore, #tpu.memory_space<semaphore_mem>>) attributes {dimension_semantics = [#tpu.dimension_semantics<core_parallel>, #tpu.dimension_semantics<subcore_parallel>], iteration_bounds = array<i64: 2, 16>, scalar_prefetch = 0 : i64, scratch_operands = 3 : i64, tpu.core_type = #tpu.core_type<sc_vector_subcore>, window_params = [{transform_indices = #map}, {transform_indices = #map}]} {
    %mul3A = arith.constant 2 : i32
    %mul3A_0 = arith.muli %arg1, %mul3A : i32
    %add3A = arith.addi %mul3A_0, %arg0 : i32
    %mul3A_1 = arith.constant 256 : i32
    %mul3A_2 = arith.muli %add3A, %mul3A_1 : i32
    %add3A_3 = arith.constant 0 : i32
    %add3A_4 = arith.addi %mul3A_2, %add3A_3 : i32
    %dma_start3A = arith.constant 0 : i32
    %dma_start3A_5 = arith.constant 0 : i32
    %dma_start3A_6 = tpu.memref_slice %arg5[%dma_start3A_5] : memref<7x!tpu.dma_semaphore, #tpu.memory_space<semaphore_mem>> -> memref<1x!tpu.dma_semaphore, #tpu.memory_space<semaphore_mem>>
    %dma_start3A_7 = tpu.memref_squeeze %dma_start3A_6 : memref<1x!tpu.dma_semaphore, #tpu.memory_space<semaphore_mem>> -> memref<!tpu.dma_semaphore, #tpu.memory_space<semaphore_mem>>
    %dma_start3A_8 = arith.constant 0 : i32
    %dma_start3A_9 = arith.constant 0 : i32
    %dma_start3A_10 = tpu.memref_slice %arg4[%arg1, %dma_start3A, %dma_start3A_8, %dma_start3A_9] : memref<16x7x16x1024xf32, #tpu.memory_space<vmem_shared>> -> memref<1x1x16x1024xf32, #tpu.memory_space<vmem_shared>>
    %dma_start3A_11 = tpu.memref_squeeze %dma_start3A_10 : memref<1x1x16x1024xf32, #tpu.memory_space<vmem_shared>> -> memref<16x1024xf32, #tpu.memory_space<vmem_shared>>
    %dma_start3A_12 = arith.constant 0 : i32
    %dma_start3A_13 = tpu.memref_slice %arg2[%add3A_4, %dma_start3A_12] : memref<8192x1024xf32, #tpu.memory_space<hbm>> -> memref<16x1024xf32, #tpu.memory_space<hbm>>
    tpu.enqueue_dma source(%dma_start3A_13 : memref<16x1024xf32, #tpu.memory_space<hbm>>) target(%dma_start3A_11 : memref<16x1024xf32, #tpu.memory_space<vmem_shared>>) target_semaphore(%dma_start3A_7 : memref<!tpu.dma_semaphore, #tpu.memory_space<semaphore_mem>>)
    %add3A_14 = arith.constant 16 : i32
    %add3A_15 = arith.addi %mul3A_2, %add3A_14 : i32
    %dma_start3A_16 = arith.constant 1 : i32
    %dma_start3A_17 = arith.constant 1 : i32
    %dma_start3A_18 = tpu.memref_slice %arg5[%dma_start3A_17] : memref<7x!tpu.dma_semaphore, #tpu.memory_space<semaphore_mem>> -> memref<1x!tpu.dma_semaphore, #tpu.memory_space<semaphore_mem>>
    %dma_start3A_19 = tpu.memref_squeeze %dma_start3A_18 : memref<1x!tpu.dma_semaphore, #tpu.memory_space<semaphore_mem>> -> memref<!tpu.dma_semaphore, #tpu.memory_space<semaphore_mem>>
    %dma_start3A_20 = arith.constant 0 : i32
    %dma_start3A_21 = arith.constant 0 : i32
    %dma_start3A_22 = tpu.memref_slice %arg4[%arg1, %dma_start3A_16, %dma_start3A_20, %dma_start3A_21] : memref<16x7x16x1024xf32, #tpu.memory_space<vmem_shared>> -> memref<1x1x16x1024xf32, #tpu.memory_space<vmem_shared>>
    %dma_start3A_23 = tpu.memref_squeeze %dma_start3A_22 : memref<1x1x16x1024xf32, #tpu.memory_space<vmem_shared>> -> memref<16x1024xf32, #tpu.memory_space<vmem_shared>>
    %dma_start3A_24 = arith.constant 0 : i32
    %dma_start3A_25 = tpu.memref_slice %arg2[%add3A_15, %dma_start3A_24] : memref<8192x1024xf32, #tpu.memory_space<hbm>> -> memref<16x1024xf32, #tpu.memory_space<hbm>>
    tpu.enqueue_dma source(%dma_start3A_25 : memref<16x1024xf32, #tpu.memory_space<hbm>>) target(%dma_start3A_23 : memref<16x1024xf32, #tpu.memory_space<vmem_shared>>) target_semaphore(%dma_start3A_19 : memref<!tpu.dma_semaphore, #tpu.memory_space<semaphore_mem>>)
    %add3A_26 = arith.constant 32 : i32
    %add3A_27 = arith.addi %mul3A_2, %add3A_26 : i32
    %dma_start3A_28 = arith.constant 2 : i32
    %dma_start3A_29 = arith.constant 2 : i32
    %dma_start3A_30 = tpu.memref_slice %arg5[%dma_start3A_29] : memref<7x!tpu.dma_semaphore, #tpu.memory_space<semaphore_mem>> -> memref<1x!tpu.dma_semaphore, #tpu.memory_space<semaphore_mem>>
    %dma_start3A_31 = tpu.memref_squeeze %dma_start3A_30 : memref<1x!tpu.dma_semaphore, #tpu.memory_space<semaphore_mem>> -> memref<!tpu.dma_semaphore, #tpu.memory_space<semaphore_mem>>
    %dma_start3A_32 = arith.constant 0 : i32
    %dma_start3A_33 = arith.constant 0 : i32
    %dma_start3A_34 = tpu.memref_slice %arg4[%arg1, %dma_start3A_28, %dma_start3A_32, %dma_start3A_33] : memref<16x7x16x1024xf32, #tpu.memory_space<vmem_shared>> -> memref<1x1x16x1024xf32, #tpu.memory_space<vmem_shared>>
    %dma_start3A_35 = tpu.memref_squeeze %dma_start3A_34 : memref<1x1x16x1024xf32, #tpu.memory_space<vmem_shared>> -> memref<16x1024xf32, #tpu.memory_space<vmem_shared>>
    %dma_start3A_36 = arith.constant 0 : i32
    %dma_start3A_37 = tpu.memref_slice %arg2[%add3A_27, %dma_start3A_36] : memref<8192x1024xf32, #tpu.memory_space<hbm>> -> memref<16x1024xf32, #tpu.memory_space<hbm>>
    tpu.enqueue_dma source(%dma_start3A_37 : memref<16x1024xf32, #tpu.memory_space<hbm>>) target(%dma_start3A_35 : memref<16x1024xf32, #tpu.memory_space<vmem_shared>>) target_semaphore(%dma_start3A_31 : memref<!tpu.dma_semaphore, #tpu.memory_space<semaphore_mem>>)
    %add3A_38 = arith.constant 48 : i32
    %add3A_39 = arith.addi %mul3A_2, %add3A_38 : i32
    %dma_start3A_40 = arith.constant 3 : i32
    %dma_start3A_41 = arith.constant 3 : i32
    %dma_start3A_42 = tpu.memref_slice %arg5[%dma_start3A_41] : memref<7x!tpu.dma_semaphore, #tpu.memory_space<semaphore_mem>> -> memref<1x!tpu.dma_semaphore, #tpu.memory_space<semaphore_mem>>
    %dma_start3A_43 = tpu.memref_squeeze %dma_start3A_42 : memref<1x!tpu.dma_semaphore, #tpu.memory_space<semaphore_mem>> -> memref<!tpu.dma_semaphore, #tpu.memory_space<semaphore_mem>>
    %dma_start3A_44 = arith.constant 0 : i32
    %dma_start3A_45 = arith.constant 0 : i32
    %dma_start3A_46 = tpu.memref_slice %arg4[%arg1, %dma_start3A_40, %dma_start3A_44, %dma_start3A_45] : memref<16x7x16x1024xf32, #tpu.memory_space<vmem_shared>> -> memref<1x1x16x1024xf32, #tpu.memory_space<vmem_shared>>
    %dma_start3A_47 = tpu.memref_squeeze %dma_start3A_46 : memref<1x1x16x1024xf32, #tpu.memory_space<vmem_shared>> -> memref<16x1024xf32, #tpu.memory_space<vmem_shared>>
    %dma_start3A_48 = arith.constant 0 : i32
    %dma_start3A_49 = tpu.memref_slice %arg2[%add3A_39, %dma_start3A_48] : memref<8192x1024xf32, #tpu.memory_space<hbm>> -> memref<16x1024xf32, #tpu.memory_space<hbm>>
    tpu.enqueue_dma source(%dma_start3A_49 : memref<16x1024xf32, #tpu.memory_space<hbm>>) target(%dma_start3A_47 : memref<16x1024xf32, #tpu.memory_space<vmem_shared>>) target_semaphore(%dma_start3A_43 : memref<!tpu.dma_semaphore, #tpu.memory_space<semaphore_mem>>)
    %add3A_50 = arith.constant 64 : i32
    %add3A_51 = arith.addi %mul3A_2, %add3A_50 : i32
    %dma_start3A_52 = arith.constant 4 : i32
    %dma_start3A_53 = arith.constant 4 : i32
    %dma_start3A_54 = tpu.memref_slice %arg5[%dma_start3A_53] : memref<7x!tpu.dma_semaphore, #tpu.memory_space<semaphore_mem>> -> memref<1x!tpu.dma_semaphore, #tpu.memory_space<semaphore_mem>>
    %dma_start3A_55 = tpu.memref_squeeze %dma_start3A_54 : memref<1x!tpu.dma_semaphore, #tpu.memory_space<semaphore_mem>> -> memref<!tpu.dma_semaphore, #tpu.memory_space<semaphore_mem>>
    %dma_start3A_56 = arith.constant 0 : i32
    %dma_start3A_57 = arith.constant 0 : i32
    %dma_start3A_58 = tpu.memref_slice %arg4[%arg1, %dma_start3A_52, %dma_start3A_56, %dma_start3A_57] : memref<16x7x16x1024xf32, #tpu.memory_space<vmem_shared>> -> memref<1x1x16x1024xf32, #tpu.memory_space<vmem_shared>>
    %dma_start3A_59 = tpu.memref_squeeze %dma_start3A_58 : memref<1x1x16x1024xf32, #tpu.memory_space<vmem_shared>> -> memref<16x1024xf32, #tpu.memory_space<vmem_shared>>
    %dma_start3A_60 = arith.constant 0 : i32
    %dma_start3A_61 = tpu.memref_slice %arg2[%add3A_51, %dma_start3A_60] : memref<8192x1024xf32, #tpu.memory_space<hbm>> -> memref<16x1024xf32, #tpu.memory_space<hbm>>
    tpu.enqueue_dma source(%dma_start3A_61 : memref<16x1024xf32, #tpu.memory_space<hbm>>) target(%dma_start3A_59 : memref<16x1024xf32, #tpu.memory_space<vmem_shared>>) target_semaphore(%dma_start3A_55 : memref<!tpu.dma_semaphore, #tpu.memory_space<semaphore_mem>>)
    %add3A_62 = arith.constant 80 : i32
    %add3A_63 = arith.addi %mul3A_2, %add3A_62 : i32
    %dma_start3A_64 = arith.constant 5 : i32
    %dma_start3A_65 = arith.constant 5 : i32
    %dma_start3A_66 = tpu.memref_slice %arg5[%dma_start3A_65] : memref<7x!tpu.dma_semaphore, #tpu.memory_space<semaphore_mem>> -> memref<1x!tpu.dma_semaphore, #tpu.memory_space<semaphore_mem>>
    %dma_start3A_67 = tpu.memref_squeeze %dma_start3A_66 : memref<1x!tpu.dma_semaphore, #tpu.memory_space<semaphore_mem>> -> memref<!tpu.dma_semaphore, #tpu.memory_space<semaphore_mem>>
    %dma_start3A_68 = arith.constant 0 : i32
    %dma_start3A_69 = arith.constant 0 : i32
    %dma_start3A_70 = tpu.memref_slice %arg4[%arg1, %dma_start3A_64, %dma_start3A_68, %dma_start3A_69] : memref<16x7x16x1024xf32, #tpu.memory_space<vmem_shared>> -> memref<1x1x16x1024xf32, #tpu.memory_space<vmem_shared>>
    %dma_start3A_71 = tpu.memref_squeeze %dma_start3A_70 : memref<1x1x16x1024xf32, #tpu.memory_space<vmem_shared>> -> memref<16x1024xf32, #tpu.memory_space<vmem_shared>>
    %dma_start3A_72 = arith.constant 0 : i32
    %dma_start3A_73 = tpu.memref_slice %arg2[%add3A_63, %dma_start3A_72] : memref<8192x1024xf32, #tpu.memory_space<hbm>> -> memref<16x1024xf32, #tpu.memory_space<hbm>>
    tpu.enqueue_dma source(%dma_start3A_73 : memref<16x1024xf32, #tpu.memory_space<hbm>>) target(%dma_start3A_71 : memref<16x1024xf32, #tpu.memory_space<vmem_shared>>) target_semaphore(%dma_start3A_67 : memref<!tpu.dma_semaphore, #tpu.memory_space<semaphore_mem>>)
    %add3A_74 = arith.constant 96 : i32
    %add3A_75 = arith.addi %mul3A_2, %add3A_74 : i32
    %dma_start3A_76 = arith.constant 6 : i32
    %dma_start3A_77 = arith.constant 6 : i32
    %dma_start3A_78 = tpu.memref_slice %arg5[%dma_start3A_77] : memref<7x!tpu.dma_semaphore, #tpu.memory_space<semaphore_mem>> -> memref<1x!tpu.dma_semaphore, #tpu.memory_space<semaphore_mem>>
    %dma_start3A_79 = tpu.memref_squeeze %dma_start3A_78 : memref<1x!tpu.dma_semaphore, #tpu.memory_space<semaphore_mem>> -> memref<!tpu.dma_semaphore, #tpu.memory_space<semaphore_mem>>
    %dma_start3A_80 = arith.constant 0 : i32
    %dma_start3A_81 = arith.constant 0 : i32
    %dma_start3A_82 = tpu.memref_slice %arg4[%arg1, %dma_start3A_76, %dma_start3A_80, %dma_start3A_81] : memref<16x7x16x1024xf32, #tpu.memory_space<vmem_shared>> -> memref<1x1x16x1024xf32, #tpu.memory_space<vmem_shared>>
    %dma_start3A_83 = tpu.memref_squeeze %dma_start3A_82 : memref<1x1x16x1024xf32, #tpu.memory_space<vmem_shared>> -> memref<16x1024xf32, #tpu.memory_space<vmem_shared>>
    %dma_start3A_84 = arith.constant 0 : i32
    %dma_start3A_85 = tpu.memref_slice %arg2[%add3A_75, %dma_start3A_84] : memref<8192x1024xf32, #tpu.memory_space<hbm>> -> memref<16x1024xf32, #tpu.memory_space<hbm>>
    tpu.enqueue_dma source(%dma_start3A_85 : memref<16x1024xf32, #tpu.memory_space<hbm>>) target(%dma_start3A_83 : memref<16x1024xf32, #tpu.memory_space<vmem_shared>>) target_semaphore(%dma_start3A_79 : memref<!tpu.dma_semaphore, #tpu.memory_space<semaphore_mem>>)
    %dma_wait3A = arith.constant 0 : i32
    %dma_wait3A_86 = arith.constant 0 : i32
    %dma_wait3A_87 = tpu.memref_slice %arg5[%dma_wait3A_86] : memref<7x!tpu.dma_semaphore, #tpu.memory_space<semaphore_mem>> -> memref<1x!tpu.dma_semaphore, #tpu.memory_space<semaphore_mem>>
    %dma_wait3A_88 = tpu.memref_squeeze %dma_wait3A_87 : memref<1x!tpu.dma_semaphore, #tpu.memory_space<semaphore_mem>> -> memref<!tpu.dma_semaphore, #tpu.memory_space<semaphore_mem>>
    %dma_wait3A_89 = arith.constant 0 : i32
    %dma_wait3A_90 = arith.constant 0 : i32
    %dma_wait3A_91 = tpu.memref_slice %arg4[%arg1, %dma_wait3A, %dma_wait3A_89, %dma_wait3A_90] : memref<16x7x16x1024xf32, #tpu.memory_space<vmem_shared>> -> memref<1x1x16x1024xf32, #tpu.memory_space<vmem_shared>>
    %dma_wait3A_92 = tpu.memref_squeeze %dma_wait3A_91 : memref<1x1x16x1024xf32, #tpu.memory_space<vmem_shared>> -> memref<16x1024xf32, #tpu.memory_space<vmem_shared>>
    %dma_wait3A_93 = arith.constant 0 : i32
    %dma_wait3A_94 = tpu.memref_slice %arg2[%add3A_4, %dma_wait3A_93] : memref<8192x1024xf32, #tpu.memory_space<hbm>> -> memref<16x1024xf32, #tpu.memory_space<hbm>>
    tpu.wait_dma2 semaphore(%dma_wait3A_88 : memref<!tpu.dma_semaphore, #tpu.memory_space<semaphore_mem>>) src(%dma_wait3A_94 : memref<16x1024xf32, #tpu.memory_space<hbm>>) dst(%dma_wait3A_92 : memref<16x1024xf32, #tpu.memory_space<vmem_shared>>)
    %add3A_95 = arith.constant 0 : i32
    %add3A_96 = arith.addi %mul3A_2, %add3A_95 : i32
    %dma_start3A_97 = arith.constant 0 : i32
    %dma_start3A_98 = arith.constant 0 : i32
    %dma_start3A_99 = tpu.memref_slice %arg6[%dma_start3A_98] : memref<7x!tpu.dma_semaphore, #tpu.memory_space<semaphore_mem>> -> memref<1x!tpu.dma_semaphore, #tpu.memory_space<semaphore_mem>>
    %dma_start3A_100 = tpu.memref_squeeze %dma_start3A_99 : memref<1x!tpu.dma_semaphore, #tpu.memory_space<semaphore_mem>> -> memref<!tpu.dma_semaphore, #tpu.memory_space<semaphore_mem>>
    %dma_start3A_101 = arith.constant 0 : i32
    %dma_start3A_102 = tpu.memref_slice %arg3[%add3A_96, %dma_start3A_101] : memref<8192x1024xf32, #tpu.memory_space<hbm>> -> memref<16x1024xf32, #tpu.memory_space<hbm>>
    %dma_start3A_103 = arith.constant 0 : i32
    %dma_start3A_104 = arith.constant 0 : i32
    %dma_start3A_105 = tpu.memref_slice %arg4[%arg1, %dma_start3A_97, %dma_start3A_103, %dma_start3A_104] : memref<16x7x16x1024xf32, #tpu.memory_space<vmem_shared>> -> memref<1x1x16x1024xf32, #tpu.memory_space<vmem_shared>>
    %dma_start3A_106 = tpu.memref_squeeze %dma_start3A_105 : memref<1x1x16x1024xf32, #tpu.memory_space<vmem_shared>> -> memref<16x1024xf32, #tpu.memory_space<vmem_shared>>
    tpu.enqueue_dma source(%dma_start3A_106 : memref<16x1024xf32, #tpu.memory_space<vmem_shared>>) target(%dma_start3A_102 : memref<16x1024xf32, #tpu.memory_space<hbm>>) target_semaphore(%dma_start3A_100 : memref<!tpu.dma_semaphore, #tpu.memory_space<semaphore_mem>>)
    %dma_wait3A_107 = arith.constant 0 : i32
    %dma_wait3A_108 = arith.constant 0 : i32
    %dma_wait3A_109 = tpu.memref_slice %arg6[%dma_wait3A_108] : memref<7x!tpu.dma_semaphore, #tpu.memory_space<semaphore_mem>> -> memref<1x!tpu.dma_semaphore, #tpu.memory_space<semaphore_mem>>
    %dma_wait3A_110 = tpu.memref_squeeze %dma_wait3A_109 : memref<1x!tpu.dma_semaphore, #tpu.memory_space<semaphore_mem>> -> memref<!tpu.dma_semaphore, #tpu.memory_space<semaphore_mem>>
    %dma_wait3A_111 = arith.constant 0 : i32
    %dma_wait3A_112 = tpu.memref_slice %arg3[%add3A_96, %dma_wait3A_111] : memref<8192x1024xf32, #tpu.memory_space<hbm>> -> memref<16x1024xf32, #tpu.memory_space<hbm>>
    %dma_wait3A_113 = arith.constant 0 : i32
    %dma_wait3A_114 = arith.constant 0 : i32
    %dma_wait3A_115 = tpu.memref_slice %arg4[%arg1, %dma_wait3A_107, %dma_wait3A_113, %dma_wait3A_114] : memref<16x7x16x1024xf32, #tpu.memory_space<vmem_shared>> -> memref<1x1x16x1024xf32, #tpu.memory_space<vmem_shared>>
    %dma_wait3A_116 = tpu.memref_squeeze %dma_wait3A_115 : memref<1x1x16x1024xf32, #tpu.memory_space<vmem_shared>> -> memref<16x1024xf32, #tpu.memory_space<vmem_shared>>
    tpu.wait_dma2 semaphore(%dma_wait3A_110 : memref<!tpu.dma_semaphore, #tpu.memory_space<semaphore_mem>>) src(%dma_wait3A_116 : memref<16x1024xf32, #tpu.memory_space<vmem_shared>>) dst(%dma_wait3A_112 : memref<16x1024xf32, #tpu.memory_space<hbm>>)
    %add3A_117 = arith.constant 112 : i32
    %add3A_118 = arith.addi %mul3A_2, %add3A_117 : i32
    %dma_start3A_119 = arith.constant 0 : i32
    %dma_start3A_120 = arith.constant 0 : i32
    %dma_start3A_121 = tpu.memref_slice %arg5[%dma_start3A_120] : memref<7x!tpu.dma_semaphore, #tpu.memory_space<semaphore_mem>> -> memref<1x!tpu.dma_semaphore, #tpu.memory_space<semaphore_mem>>
    %dma_start3A_122 = tpu.memref_squeeze %dma_start3A_121 : memref<1x!tpu.dma_semaphore, #tpu.memory_space<semaphore_mem>> -> memref<!tpu.dma_semaphore, #tpu.memory_space<semaphore_mem>>
    %dma_start3A_123 = arith.constant 0 : i32
    %dma_start3A_124 = arith.constant 0 : i32
    %dma_start3A_125 = tpu.memref_slice %arg4[%arg1, %dma_start3A_119, %dma_start3A_123, %dma_start3A_124] : memref<16x7x16x1024xf32, #tpu.memory_space<vmem_shared>> -> memref<1x1x16x1024xf32, #tpu.memory_space<vmem_shared>>
    %dma_start3A_126 = tpu.memref_squeeze %dma_start3A_125 : memref<1x1x16x1024xf32, #tpu.memory_space<vmem_shared>> -> memref<16x1024xf32, #tpu.memory_space<vmem_shared>>
    %dma_start3A_127 = arith.constant 0 : i32
    %dma_start3A_128 = tpu.memref_slice %arg2[%add3A_118, %dma_start3A_127] : memref<8192x1024xf32, #tpu.memory_space<hbm>> -> memref<16x1024xf32, #tpu.memory_space<hbm>>
    tpu.enqueue_dma source(%dma_start3A_128 : memref<16x1024xf32, #tpu.memory_space<hbm>>) target(%dma_start3A_126 : memref<16x1024xf32, #tpu.memory_space<vmem_shared>>) target_semaphore(%dma_start3A_122 : memref<!tpu.dma_semaphore, #tpu.memory_space<semaphore_mem>>)
    %dma_wait3A_129 = arith.constant 1 : i32
    %dma_wait3A_130 = arith.constant 1 : i32
    %dma_wait3A_131 = tpu.memref_slice %arg5[%dma_wait3A_130] : memref<7x!tpu.dma_semaphore, #tpu.memory_space<semaphore_mem>> -> memref<1x!tpu.dma_semaphore, #tpu.memory_space<semaphore_mem>>
    %dma_wait3A_132 = tpu.memref_squeeze %dma_wait3A_131 : memref<1x!tpu.dma_semaphore, #tpu.memory_space<semaphore_mem>> -> memref<!tpu.dma_semaphore, #tpu.memory_space<semaphore_mem>>
    %dma_wait3A_133 = arith.constant 0 : i32
    %dma_wait3A_134 = arith.constant 0 : i32
    %dma_wait3A_135 = tpu.memref_slice %arg4[%arg1, %dma_wait3A_129, %dma_wait3A_133, %dma_wait3A_134] : memref<16x7x16x1024xf32, #tpu.memory_space<vmem_shared>> -> memref<1x1x16x1024xf32, #tpu.memory_space<vmem_shared>>
    %dma_wait3A_136 = tpu.memref_squeeze %dma_wait3A_135 : memref<1x1x16x1024xf32, #tpu.memory_space<vmem_shared>> -> memref<16x1024xf32, #tpu.memory_space<vmem_shared>>
    %dma_wait3A_137 = arith.constant 0 : i32
    %dma_wait3A_138 = tpu.memref_slice %arg2[%add3A_15, %dma_wait3A_137] : memref<8192x1024xf32, #tpu.memory_space<hbm>> -> memref<16x1024xf32, #tpu.memory_space<hbm>>
    tpu.wait_dma2 semaphore(%dma_wait3A_132 : memref<!tpu.dma_semaphore, #tpu.memory_space<semaphore_mem>>) src(%dma_wait3A_138 : memref<16x1024xf32, #tpu.memory_space<hbm>>) dst(%dma_wait3A_136 : memref<16x1024xf32, #tpu.memory_space<vmem_shared>>)
    %add3A_139 = arith.constant 16 : i32
    %add3A_140 = arith.addi %mul3A_2, %add3A_139 : i32
    %dma_start3A_141 = arith.constant 1 : i32
    %dma_start3A_142 = arith.constant 1 : i32
    %dma_start3A_143 = tpu.memref_slice %arg6[%dma_start3A_142] : memref<7x!tpu.dma_semaphore, #tpu.memory_space<semaphore_mem>> -> memref<1x!tpu.dma_semaphore, #tpu.memory_space<semaphore_mem>>
    %dma_start3A_144 = tpu.memref_squeeze %dma_start3A_143 : memref<1x!tpu.dma_semaphore, #tpu.memory_space<semaphore_mem>> -> memref<!tpu.dma_semaphore, #tpu.memory_space<semaphore_mem>>
    %dma_start3A_145 = arith.constant 0 : i32
    %dma_start3A_146 = tpu.memref_slice %arg3[%add3A_140, %dma_start3A_145] : memref<8192x1024xf32, #tpu.memory_space<hbm>> -> memref<16x1024xf32, #tpu.memory_space<hbm>>
    %dma_start3A_147 = arith.constant 0 : i32
    %dma_start3A_148 = arith.constant 0 : i32
    %dma_start3A_149 = tpu.memref_slice %arg4[%arg1, %dma_start3A_141, %dma_start3A_147, %dma_start3A_148] : memref<16x7x16x1024xf32, #tpu.memory_space<vmem_shared>> -> memref<1x1x16x1024xf32, #tpu.memory_space<vmem_shared>>
    %dma_start3A_150 = tpu.memref_squeeze %dma_start3A_149 : memref<1x1x16x1024xf32, #tpu.memory_space<vmem_shared>> -> memref<16x1024xf32, #tpu.memory_space<vmem_shared>>
    tpu.enqueue_dma source(%dma_start3A_150 : memref<16x1024xf32, #tpu.memory_space<vmem_shared>>) target(%dma_start3A_146 : memref<16x1024xf32, #tpu.memory_space<hbm>>) target_semaphore(%dma_start3A_144 : memref<!tpu.dma_semaphore, #tpu.memory_space<semaphore_mem>>)
    %dma_wait3A_151 = arith.constant 1 : i32
    %dma_wait3A_152 = arith.constant 1 : i32
    %dma_wait3A_153 = tpu.memref_slice %arg6[%dma_wait3A_152] : memref<7x!tpu.dma_semaphore, #tpu.memory_space<semaphore_mem>> -> memref<1x!tpu.dma_semaphore, #tpu.memory_space<semaphore_mem>>
    %dma_wait3A_154 = tpu.memref_squeeze %dma_wait3A_153 : memref<1x!tpu.dma_semaphore, #tpu.memory_space<semaphore_mem>> -> memref<!tpu.dma_semaphore, #tpu.memory_space<semaphore_mem>>
    %dma_wait3A_155 = arith.constant 0 : i32
    %dma_wait3A_156 = tpu.memref_slice %arg3[%add3A_140, %dma_wait3A_155] : memref<8192x1024xf32, #tpu.memory_space<hbm>> -> memref<16x1024xf32, #tpu.memory_space<hbm>>
    %dma_wait3A_157 = arith.constant 0 : i32
    %dma_wait3A_158 = arith.constant 0 : i32
    %dma_wait3A_159 = tpu.memref_slice %arg4[%arg1, %dma_wait3A_151, %dma_wait3A_157, %dma_wait3A_158] : memref<16x7x16x1024xf32, #tpu.memory_space<vmem_shared>> -> memref<1x1x16x1024xf32, #tpu.memory_space<vmem_shared>>
    %dma_wait3A_160 = tpu.memref_squeeze %dma_wait3A_159 : memref<1x1x16x1024xf32, #tpu.memory_space<vmem_shared>> -> memref<16x1024xf32, #tpu.memory_space<vmem_shared>>
    tpu.wait_dma2 semaphore(%dma_wait3A_154 : memref<!tpu.dma_semaphore, #tpu.memory_space<semaphore_mem>>) src(%dma_wait3A_160 : memref<16x1024xf32, #tpu.memory_space<vmem_shared>>) dst(%dma_wait3A_156 : memref<16x1024xf32, #tpu.memory_space<hbm>>)
    %add3A_161 = arith.constant 128 : i32
    %add3A_162 = arith.addi %mul3A_2, %add3A_161 : i32
    %dma_start3A_163 = arith.constant 1 : i32
    %dma_start3A_164 = arith.constant 1 : i32
    %dma_start3A_165 = tpu.memref_slice %arg5[%dma_start3A_164] : memref<7x!tpu.dma_semaphore, #tpu.memory_space<semaphore_mem>> -> memref<1x!tpu.dma_semaphore, #tpu.memory_space<semaphore_mem>>
    %dma_start3A_166 = tpu.memref_squeeze %dma_start3A_165 : memref<1x!tpu.dma_semaphore, #tpu.memory_space<semaphore_mem>> -> memref<!tpu.dma_semaphore, #tpu.memory_space<semaphore_mem>>
    %dma_start3A_167 = arith.constant 0 : i32
    %dma_start3A_168 = arith.constant 0 : i32
    %dma_start3A_169 = tpu.memref_slice %arg4[%arg1, %dma_start3A_163, %dma_start3A_167, %dma_start3A_168] : memref<16x7x16x1024xf32, #tpu.memory_space<vmem_shared>> -> memref<1x1x16x1024xf32, #tpu.memory_space<vmem_shared>>
    %dma_start3A_170 = tpu.memref_squeeze %dma_start3A_169 : memref<1x1x16x1024xf32, #tpu.memory_space<vmem_shared>> -> memref<16x1024xf32, #tpu.memory_space<vmem_shared>>
    %dma_start3A_171 = arith.constant 0 : i32
    %dma_start3A_172 = tpu.memref_slice %arg2[%add3A_162, %dma_start3A_171] : memref<8192x1024xf32, #tpu.memory_space<hbm>> -> memref<16x1024xf32, #tpu.memory_space<hbm>>
    tpu.enqueue_dma source(%dma_start3A_172 : memref<16x1024xf32, #tpu.memory_space<hbm>>) target(%dma_start3A_170 : memref<16x1024xf32, #tpu.memory_space<vmem_shared>>) target_semaphore(%dma_start3A_166 : memref<!tpu.dma_semaphore, #tpu.memory_space<semaphore_mem>>)
    %dma_wait3A_173 = arith.constant 2 : i32
    %dma_wait3A_174 = arith.constant 2 : i32
    %dma_wait3A_175 = tpu.memref_slice %arg5[%dma_wait3A_174] : memref<7x!tpu.dma_semaphore, #tpu.memory_space<semaphore_mem>> -> memref<1x!tpu.dma_semaphore, #tpu.memory_space<semaphore_mem>>
    %dma_wait3A_176 = tpu.memref_squeeze %dma_wait3A_175 : memref<1x!tpu.dma_semaphore, #tpu.memory_space<semaphore_mem>> -> memref<!tpu.dma_semaphore, #tpu.memory_space<semaphore_mem>>
    %dma_wait3A_177 = arith.constant 0 : i32
    %dma_wait3A_178 = arith.constant 0 : i32
    %dma_wait3A_179 = tpu.memref_slice %arg4[%arg1, %dma_wait3A_173, %dma_wait3A_177, %dma_wait3A_178] : memref<16x7x16x1024xf32, #tpu.memory_space<vmem_shared>> -> memref<1x1x16x1024xf32, #tpu.memory_space<vmem_shared>>
    %dma_wait3A_180 = tpu.memref_squeeze %dma_wait3A_179 : memref<1x1x16x1024xf32, #tpu.memory_space<vmem_shared>> -> memref<16x1024xf32, #tpu.memory_space<vmem_shared>>
    %dma_wait3A_181 = arith.constant 0 : i32
    %dma_wait3A_182 = tpu.memref_slice %arg2[%add3A_27, %dma_wait3A_181] : memref<8192x1024xf32, #tpu.memory_space<hbm>> -> memref<16x1024xf32, #tpu.memory_space<hbm>>
    tpu.wait_dma2 semaphore(%dma_wait3A_176 : memref<!tpu.dma_semaphore, #tpu.memory_space<semaphore_mem>>) src(%dma_wait3A_182 : memref<16x1024xf32, #tpu.memory_space<hbm>>) dst(%dma_wait3A_180 : memref<16x1024xf32, #tpu.memory_space<vmem_shared>>)
    %add3A_183 = arith.constant 32 : i32
    %add3A_184 = arith.addi %mul3A_2, %add3A_183 : i32
    %dma_start3A_185 = arith.constant 2 : i32
    %dma_start3A_186 = arith.constant 2 : i32
    %dma_start3A_187 = tpu.memref_slice %arg6[%dma_start3A_186] : memref<7x!tpu.dma_semaphore, #tpu.memory_space<semaphore_mem>> -> memref<1x!tpu.dma_semaphore, #tpu.memory_space<semaphore_mem>>
    %dma_start3A_188 = tpu.memref_squeeze %dma_start3A_187 : memref<1x!tpu.dma_semaphore, #tpu.memory_space<semaphore_mem>> -> memref<!tpu.dma_semaphore, #tpu.memory_space<semaphore_mem>>
    %dma_start3A_189 = arith.constant 0 : i32
    %dma_start3A_190 = tpu.memref_slice %arg3[%add3A_184, %dma_start3A_189] : memref<8192x1024xf32, #tpu.memory_space<hbm>> -> memref<16x1024xf32, #tpu.memory_space<hbm>>
    %dma_start3A_191 = arith.constant 0 : i32
    %dma_start3A_192 = arith.constant 0 : i32
    %dma_start3A_193 = tpu.memref_slice %arg4[%arg1, %dma_start3A_185, %dma_start3A_191, %dma_start3A_192] : memref<16x7x16x1024xf32, #tpu.memory_space<vmem_shared>> -> memref<1x1x16x1024xf32, #tpu.memory_space<vmem_shared>>
    %dma_start3A_194 = tpu.memref_squeeze %dma_start3A_193 : memref<1x1x16x1024xf32, #tpu.memory_space<vmem_shared>> -> memref<16x1024xf32, #tpu.memory_space<vmem_shared>>
    tpu.enqueue_dma source(%dma_start3A_194 : memref<16x1024xf32, #tpu.memory_space<vmem_shared>>) target(%dma_start3A_190 : memref<16x1024xf32, #tpu.memory_space<hbm>>) target_semaphore(%dma_start3A_188 : memref<!tpu.dma_semaphore, #tpu.memory_space<semaphore_mem>>)
    %dma_wait3A_195 = arith.constant 2 : i32
    %dma_wait3A_196 = arith.constant 2 : i32
    %dma_wait3A_197 = tpu.memref_slice %arg6[%dma_wait3A_196] : memref<7x!tpu.dma_semaphore, #tpu.memory_space<semaphore_mem>> -> memref<1x!tpu.dma_semaphore, #tpu.memory_space<semaphore_mem>>
    %dma_wait3A_198 = tpu.memref_squeeze %dma_wait3A_197 : memref<1x!tpu.dma_semaphore, #tpu.memory_space<semaphore_mem>> -> memref<!tpu.dma_semaphore, #tpu.memory_space<semaphore_mem>>
    %dma_wait3A_199 = arith.constant 0 : i32
    %dma_wait3A_200 = tpu.memref_slice %arg3[%add3A_184, %dma_wait3A_199] : memref<8192x1024xf32, #tpu.memory_space<hbm>> -> memref<16x1024xf32, #tpu.memory_space<hbm>>
    %dma_wait3A_201 = arith.constant 0 : i32
    %dma_wait3A_202 = arith.constant 0 : i32
    %dma_wait3A_203 = tpu.memref_slice %arg4[%arg1, %dma_wait3A_195, %dma_wait3A_201, %dma_wait3A_202] : memref<16x7x16x1024xf32, #tpu.memory_space<vmem_shared>> -> memref<1x1x16x1024xf32, #tpu.memory_space<vmem_shared>>
    %dma_wait3A_204 = tpu.memref_squeeze %dma_wait3A_203 : memref<1x1x16x1024xf32, #tpu.memory_space<vmem_shared>> -> memref<16x1024xf32, #tpu.memory_space<vmem_shared>>
    tpu.wait_dma2 semaphore(%dma_wait3A_198 : memref<!tpu.dma_semaphore, #tpu.memory_space<semaphore_mem>>) src(%dma_wait3A_204 : memref<16x1024xf32, #tpu.memory_space<vmem_shared>>) dst(%dma_wait3A_200 : memref<16x1024xf32, #tpu.memory_space<hbm>>)
    %add3A_205 = arith.constant 144 : i32
    %add3A_206 = arith.addi %mul3A_2, %add3A_205 : i32
    %dma_start3A_207 = arith.constant 2 : i32
    %dma_start3A_208 = arith.constant 2 : i32
    %dma_start3A_209 = tpu.memref_slice %arg5[%dma_start3A_208] : memref<7x!tpu.dma_semaphore, #tpu.memory_space<semaphore_mem>> -> memref<1x!tpu.dma_semaphore, #tpu.memory_space<semaphore_mem>>
    %dma_start3A_210 = tpu.memref_squeeze %dma_start3A_209 : memref<1x!tpu.dma_semaphore, #tpu.memory_space<semaphore_mem>> -> memref<!tpu.dma_semaphore, #tpu.memory_space<semaphore_mem>>
    %dma_start3A_211 = arith.constant 0 : i32
    %dma_start3A_212 = arith.constant 0 : i32
    %dma_start3A_213 = tpu.memref_slice %arg4[%arg1, %dma_start3A_207, %dma_start3A_211, %dma_start3A_212] : memref<16x7x16x1024xf32, #tpu.memory_space<vmem_shared>> -> memref<1x1x16x1024xf32, #tpu.memory_space<vmem_shared>>
    %dma_start3A_214 = tpu.memref_squeeze %dma_start3A_213 : memref<1x1x16x1024xf32, #tpu.memory_space<vmem_shared>> -> memref<16x1024xf32, #tpu.memory_space<vmem_shared>>
    %dma_start3A_215 = arith.constant 0 : i32
    %dma_start3A_216 = tpu.memref_slice %arg2[%add3A_206, %dma_start3A_215] : memref<8192x1024xf32, #tpu.memory_space<hbm>> -> memref<16x1024xf32, #tpu.memory_space<hbm>>
    tpu.enqueue_dma source(%dma_start3A_216 : memref<16x1024xf32, #tpu.memory_space<hbm>>) target(%dma_start3A_214 : memref<16x1024xf32, #tpu.memory_space<vmem_shared>>) target_semaphore(%dma_start3A_210 : memref<!tpu.dma_semaphore, #tpu.memory_space<semaphore_mem>>)
    %dma_wait3A_217 = arith.constant 3 : i32
    %dma_wait3A_218 = arith.constant 3 : i32
    %dma_wait3A_219 = tpu.memref_slice %arg5[%dma_wait3A_218] : memref<7x!tpu.dma_semaphore, #tpu.memory_space<semaphore_mem>> -> memref<1x!tpu.dma_semaphore, #tpu.memory_space<semaphore_mem>>
    %dma_wait3A_220 = tpu.memref_squeeze %dma_wait3A_219 : memref<1x!tpu.dma_semaphore, #tpu.memory_space<semaphore_mem>> -> memref<!tpu.dma_semaphore, #tpu.memory_space<semaphore_mem>>
    %dma_wait3A_221 = arith.constant 0 : i32
    %dma_wait3A_222 = arith.constant 0 : i32
    %dma_wait3A_223 = tpu.memref_slice %arg4[%arg1, %dma_wait3A_217, %dma_wait3A_221, %dma_wait3A_222] : memref<16x7x16x1024xf32, #tpu.memory_space<vmem_shared>> -> memref<1x1x16x1024xf32, #tpu.memory_space<vmem_shared>>
    %dma_wait3A_224 = tpu.memref_squeeze %dma_wait3A_223 : memref<1x1x16x1024xf32, #tpu.memory_space<vmem_shared>> -> memref<16x1024xf32, #tpu.memory_space<vmem_shared>>
    %dma_wait3A_225 = arith.constant 0 : i32
    %dma_wait3A_226 = tpu.memref_slice %arg2[%add3A_39, %dma_wait3A_225] : memref<8192x1024xf32, #tpu.memory_space<hbm>> -> memref<16x1024xf32, #tpu.memory_space<hbm>>
    tpu.wait_dma2 semaphore(%dma_wait3A_220 : memref<!tpu.dma_semaphore, #tpu.memory_space<semaphore_mem>>) src(%dma_wait3A_226 : memref<16x1024xf32, #tpu.memory_space<hbm>>) dst(%dma_wait3A_224 : memref<16x1024xf32, #tpu.memory_space<vmem_shared>>)
    %add3A_227 = arith.constant 48 : i32
    %add3A_228 = arith.addi %mul3A_2, %add3A_227 : i32
    %dma_start3A_229 = arith.constant 3 : i32
    %dma_start3A_230 = arith.constant 3 : i32
    %dma_start3A_231 = tpu.memref_slice %arg6[%dma_start3A_230] : memref<7x!tpu.dma_semaphore, #tpu.memory_space<semaphore_mem>> -> memref<1x!tpu.dma_semaphore, #tpu.memory_space<semaphore_mem>>
    %dma_start3A_232 = tpu.memref_squeeze %dma_start3A_231 : memref<1x!tpu.dma_semaphore, #tpu.memory_space<semaphore_mem>> -> memref<!tpu.dma_semaphore, #tpu.memory_space<semaphore_mem>>
    %dma_start3A_233 = arith.constant 0 : i32
    %dma_start3A_234 = tpu.memref_slice %arg3[%add3A_228, %dma_start3A_233] : memref<8192x1024xf32, #tpu.memory_space<hbm>> -> memref<16x1024xf32, #tpu.memory_space<hbm>>
    %dma_start3A_235 = arith.constant 0 : i32
    %dma_start3A_236 = arith.constant 0 : i32
    %dma_start3A_237 = tpu.memref_slice %arg4[%arg1, %dma_start3A_229, %dma_start3A_235, %dma_start3A_236] : memref<16x7x16x1024xf32, #tpu.memory_space<vmem_shared>> -> memref<1x1x16x1024xf32, #tpu.memory_space<vmem_shared>>
    %dma_start3A_238 = tpu.memref_squeeze %dma_start3A_237 : memref<1x1x16x1024xf32, #tpu.memory_space<vmem_shared>> -> memref<16x1024xf32, #tpu.memory_space<vmem_shared>>
    tpu.enqueue_dma source(%dma_start3A_238 : memref<16x1024xf32, #tpu.memory_space<vmem_shared>>) target(%dma_start3A_234 : memref<16x1024xf32, #tpu.memory_space<hbm>>) target_semaphore(%dma_start3A_232 : memref<!tpu.dma_semaphore, #tpu.memory_space<semaphore_mem>>)
    %dma_wait3A_239 = arith.constant 3 : i32
    %dma_wait3A_240 = arith.constant 3 : i32
    %dma_wait3A_241 = tpu.memref_slice %arg6[%dma_wait3A_240] : memref<7x!tpu.dma_semaphore, #tpu.memory_space<semaphore_mem>> -> memref<1x!tpu.dma_semaphore, #tpu.memory_space<semaphore_mem>>
    %dma_wait3A_242 = tpu.memref_squeeze %dma_wait3A_241 : memref<1x!tpu.dma_semaphore, #tpu.memory_space<semaphore_mem>> -> memref<!tpu.dma_semaphore, #tpu.memory_space<semaphore_mem>>
    %dma_wait3A_243 = arith.constant 0 : i32
    %dma_wait3A_244 = tpu.memref_slice %arg3[%add3A_228, %dma_wait3A_243] : memref<8192x1024xf32, #tpu.memory_space<hbm>> -> memref<16x1024xf32, #tpu.memory_space<hbm>>
    %dma_wait3A_245 = arith.constant 0 : i32
    %dma_wait3A_246 = arith.constant 0 : i32
    %dma_wait3A_247 = tpu.memref_slice %arg4[%arg1, %dma_wait3A_239, %dma_wait3A_245, %dma_wait3A_246] : memref<16x7x16x1024xf32, #tpu.memory_space<vmem_shared>> -> memref<1x1x16x1024xf32, #tpu.memory_space<vmem_shared>>
    %dma_wait3A_248 = tpu.memref_squeeze %dma_wait3A_247 : memref<1x1x16x1024xf32, #tpu.memory_space<vmem_shared>> -> memref<16x1024xf32, #tpu.memory_space<vmem_shared>>
    tpu.wait_dma2 semaphore(%dma_wait3A_242 : memref<!tpu.dma_semaphore, #tpu.memory_space<semaphore_mem>>) src(%dma_wait3A_248 : memref<16x1024xf32, #tpu.memory_space<vmem_shared>>) dst(%dma_wait3A_244 : memref<16x1024xf32, #tpu.memory_space<hbm>>)
    %add3A_249 = arith.constant 160 : i32
    %add3A_250 = arith.addi %mul3A_2, %add3A_249 : i32
    %dma_start3A_251 = arith.constant 3 : i32
    %dma_start3A_252 = arith.constant 3 : i32
    %dma_start3A_253 = tpu.memref_slice %arg5[%dma_start3A_252] : memref<7x!tpu.dma_semaphore, #tpu.memory_space<semaphore_mem>> -> memref<1x!tpu.dma_semaphore, #tpu.memory_space<semaphore_mem>>
    %dma_start3A_254 = tpu.memref_squeeze %dma_start3A_253 : memref<1x!tpu.dma_semaphore, #tpu.memory_space<semaphore_mem>> -> memref<!tpu.dma_semaphore, #tpu.memory_space<semaphore_mem>>
    %dma_start3A_255 = arith.constant 0 : i32
    %dma_start3A_256 = arith.constant 0 : i32
    %dma_start3A_257 = tpu.memref_slice %arg4[%arg1, %dma_start3A_251, %dma_start3A_255, %dma_start3A_256] : memref<16x7x16x1024xf32, #tpu.memory_space<vmem_shared>> -> memref<1x1x16x1024xf32, #tpu.memory_space<vmem_shared>>
    %dma_start3A_258 = tpu.memref_squeeze %dma_start3A_257 : memref<1x1x16x1024xf32, #tpu.memory_space<vmem_shared>> -> memref<16x1024xf32, #tpu.memory_space<vmem_shared>>
    %dma_start3A_259 = arith.constant 0 : i32
    %dma_start3A_260 = tpu.memref_slice %arg2[%add3A_250, %dma_start3A_259] : memref<8192x1024xf32, #tpu.memory_space<hbm>> -> memref<16x1024xf32, #tpu.memory_space<hbm>>
    tpu.enqueue_dma source(%dma_start3A_260 : memref<16x1024xf32, #tpu.memory_space<hbm>>) target(%dma_start3A_258 : memref<16x1024xf32, #tpu.memory_space<vmem_shared>>) target_semaphore(%dma_start3A_254 : memref<!tpu.dma_semaphore, #tpu.memory_space<semaphore_mem>>)
    %dma_wait3A_261 = arith.constant 4 : i32
    %dma_wait3A_262 = arith.constant 4 : i32
    %dma_wait3A_263 = tpu.memref_slice %arg5[%dma_wait3A_262] : memref<7x!tpu.dma_semaphore, #tpu.memory_space<semaphore_mem>> -> memref<1x!tpu.dma_semaphore, #tpu.memory_space<semaphore_mem>>
    %dma_wait3A_264 = tpu.memref_squeeze %dma_wait3A_263 : memref<1x!tpu.dma_semaphore, #tpu.memory_space<semaphore_mem>> -> memref<!tpu.dma_semaphore, #tpu.memory_space<semaphore_mem>>
    %dma_wait3A_265 = arith.constant 0 : i32
    %dma_wait3A_266 = arith.constant 0 : i32
    %dma_wait3A_267 = tpu.memref_slice %arg4[%arg1, %dma_wait3A_261, %dma_wait3A_265, %dma_wait3A_266] : memref<16x7x16x1024xf32, #tpu.memory_space<vmem_shared>> -> memref<1x1x16x1024xf32, #tpu.memory_space<vmem_shared>>
    %dma_wait3A_268 = tpu.memref_squeeze %dma_wait3A_267 : memref<1x1x16x1024xf32, #tpu.memory_space<vmem_shared>> -> memref<16x1024xf32, #tpu.memory_space<vmem_shared>>
    %dma_wait3A_269 = arith.constant 0 : i32
    %dma_wait3A_270 = tpu.memref_slice %arg2[%add3A_51, %dma_wait3A_269] : memref<8192x1024xf32, #tpu.memory_space<hbm>> -> memref<16x1024xf32, #tpu.memory_space<hbm>>
    tpu.wait_dma2 semaphore(%dma_wait3A_264 : memref<!tpu.dma_semaphore, #tpu.memory_space<semaphore_mem>>) src(%dma_wait3A_270 : memref<16x1024xf32, #tpu.memory_space<hbm>>) dst(%dma_wait3A_268 : memref<16x1024xf32, #tpu.memory_space<vmem_shared>>)
    %add3A_271 = arith.constant 64 : i32
    %add3A_272 = arith.addi %mul3A_2, %add3A_271 : i32
    %dma_start3A_273 = arith.constant 4 : i32
    %dma_start3A_274 = arith.constant 4 : i32
    %dma_start3A_275 = tpu.memref_slice %arg6[%dma_start3A_274] : memref<7x!tpu.dma_semaphore, #tpu.memory_space<semaphore_mem>> -> memref<1x!tpu.dma_semaphore, #tpu.memory_space<semaphore_mem>>
    %dma_start3A_276 = tpu.memref_squeeze %dma_start3A_275 : memref<1x!tpu.dma_semaphore, #tpu.memory_space<semaphore_mem>> -> memref<!tpu.dma_semaphore, #tpu.memory_space<semaphore_mem>>
    %dma_start3A_277 = arith.constant 0 : i32
    %dma_start3A_278 = tpu.memref_slice %arg3[%add3A_272, %dma_start3A_277] : memref<8192x1024xf32, #tpu.memory_space<hbm>> -> memref<16x1024xf32, #tpu.memory_space<hbm>>
    %dma_start3A_279 = arith.constant 0 : i32
    %dma_start3A_280 = arith.constant 0 : i32
    %dma_start3A_281 = tpu.memref_slice %arg4[%arg1, %dma_start3A_273, %dma_start3A_279, %dma_start3A_280] : memref<16x7x16x1024xf32, #tpu.memory_space<vmem_shared>> -> memref<1x1x16x1024xf32, #tpu.memory_space<vmem_shared>>
    %dma_start3A_282 = tpu.memref_squeeze %dma_start3A_281 : memref<1x1x16x1024xf32, #tpu.memory_space<vmem_shared>> -> memref<16x1024xf32, #tpu.memory_space<vmem_shared>>
    tpu.enqueue_dma source(%dma_start3A_282 : memref<16x1024xf32, #tpu.memory_space<vmem_shared>>) target(%dma_start3A_278 : memref<16x1024xf32, #tpu.memory_space<hbm>>) target_semaphore(%dma_start3A_276 : memref<!tpu.dma_semaphore, #tpu.memory_space<semaphore_mem>>)
    %dma_wait3A_283 = arith.constant 4 : i32
    %dma_wait3A_284 = arith.constant 4 : i32
    %dma_wait3A_285 = tpu.memref_slice %arg6[%dma_wait3A_284] : memref<7x!tpu.dma_semaphore, #tpu.memory_space<semaphore_mem>> -> memref<1x!tpu.dma_semaphore, #tpu.memory_space<semaphore_mem>>
    %dma_wait3A_286 = tpu.memref_squeeze %dma_wait3A_285 : memref<1x!tpu.dma_semaphore, #tpu.memory_space<semaphore_mem>> -> memref<!tpu.dma_semaphore, #tpu.memory_space<semaphore_mem>>
    %dma_wait3A_287 = arith.constant 0 : i32
    %dma_wait3A_288 = tpu.memref_slice %arg3[%add3A_272, %dma_wait3A_287] : memref<8192x1024xf32, #tpu.memory_space<hbm>> -> memref<16x1024xf32, #tpu.memory_space<hbm>>
    %dma_wait3A_289 = arith.constant 0 : i32
    %dma_wait3A_290 = arith.constant 0 : i32
    %dma_wait3A_291 = tpu.memref_slice %arg4[%arg1, %dma_wait3A_283, %dma_wait3A_289, %dma_wait3A_290] : memref<16x7x16x1024xf32, #tpu.memory_space<vmem_shared>> -> memref<1x1x16x1024xf32, #tpu.memory_space<vmem_shared>>
    %dma_wait3A_292 = tpu.memref_squeeze %dma_wait3A_291 : memref<1x1x16x1024xf32, #tpu.memory_space<vmem_shared>> -> memref<16x1024xf32, #tpu.memory_space<vmem_shared>>
    tpu.wait_dma2 semaphore(%dma_wait3A_286 : memref<!tpu.dma_semaphore, #tpu.memory_space<semaphore_mem>>) src(%dma_wait3A_292 : memref<16x1024xf32, #tpu.memory_space<vmem_shared>>) dst(%dma_wait3A_288 : memref<16x1024xf32, #tpu.memory_space<hbm>>)
    %add3A_293 = arith.constant 176 : i32
    %add3A_294 = arith.addi %mul3A_2, %add3A_293 : i32
    %dma_start3A_295 = arith.constant 4 : i32
    %dma_start3A_296 = arith.constant 4 : i32
    %dma_start3A_297 = tpu.memref_slice %arg5[%dma_start3A_296] : memref<7x!tpu.dma_semaphore, #tpu.memory_space<semaphore_mem>> -> memref<1x!tpu.dma_semaphore, #tpu.memory_space<semaphore_mem>>
    %dma_start3A_298 = tpu.memref_squeeze %dma_start3A_297 : memref<1x!tpu.dma_semaphore, #tpu.memory_space<semaphore_mem>> -> memref<!tpu.dma_semaphore, #tpu.memory_space<semaphore_mem>>
    %dma_start3A_299 = arith.constant 0 : i32
    %dma_start3A_300 = arith.constant 0 : i32
    %dma_start3A_301 = tpu.memref_slice %arg4[%arg1, %dma_start3A_295, %dma_start3A_299, %dma_start3A_300] : memref<16x7x16x1024xf32, #tpu.memory_space<vmem_shared>> -> memref<1x1x16x1024xf32, #tpu.memory_space<vmem_shared>>
    %dma_start3A_302 = tpu.memref_squeeze %dma_start3A_301 : memref<1x1x16x1024xf32, #tpu.memory_space<vmem_shared>> -> memref<16x1024xf32, #tpu.memory_space<vmem_shared>>
    %dma_start3A_303 = arith.constant 0 : i32
    %dma_start3A_304 = tpu.memref_slice %arg2[%add3A_294, %dma_start3A_303] : memref<8192x1024xf32, #tpu.memory_space<hbm>> -> memref<16x1024xf32, #tpu.memory_space<hbm>>
    tpu.enqueue_dma source(%dma_start3A_304 : memref<16x1024xf32, #tpu.memory_space<hbm>>) target(%dma_start3A_302 : memref<16x1024xf32, #tpu.memory_space<vmem_shared>>) target_semaphore(%dma_start3A_298 : memref<!tpu.dma_semaphore, #tpu.memory_space<semaphore_mem>>)
    %dma_wait3A_305 = arith.constant 5 : i32
    %dma_wait3A_306 = arith.constant 5 : i32
    %dma_wait3A_307 = tpu.memref_slice %arg5[%dma_wait3A_306] : memref<7x!tpu.dma_semaphore, #tpu.memory_space<semaphore_mem>> -> memref<1x!tpu.dma_semaphore, #tpu.memory_space<semaphore_mem>>
    %dma_wait3A_308 = tpu.memref_squeeze %dma_wait3A_307 : memref<1x!tpu.dma_semaphore, #tpu.memory_space<semaphore_mem>> -> memref<!tpu.dma_semaphore, #tpu.memory_space<semaphore_mem>>
    %dma_wait3A_309 = arith.constant 0 : i32
    %dma_wait3A_310 = arith.constant 0 : i32
    %dma_wait3A_311 = tpu.memref_slice %arg4[%arg1, %dma_wait3A_305, %dma_wait3A_309, %dma_wait3A_310] : memref<16x7x16x1024xf32, #tpu.memory_space<vmem_shared>> -> memref<1x1x16x1024xf32, #tpu.memory_space<vmem_shared>>
    %dma_wait3A_312 = tpu.memref_squeeze %dma_wait3A_311 : memref<1x1x16x1024xf32, #tpu.memory_space<vmem_shared>> -> memref<16x1024xf32, #tpu.memory_space<vmem_shared>>
    %dma_wait3A_313 = arith.constant 0 : i32
    %dma_wait3A_314 = tpu.memref_slice %arg2[%add3A_63, %dma_wait3A_313] : memref<8192x1024xf32, #tpu.memory_space<hbm>> -> memref<16x1024xf32, #tpu.memory_space<hbm>>
    tpu.wait_dma2 semaphore(%dma_wait3A_308 : memref<!tpu.dma_semaphore, #tpu.memory_space<semaphore_mem>>) src(%dma_wait3A_314 : memref<16x1024xf32, #tpu.memory_space<hbm>>) dst(%dma_wait3A_312 : memref<16x1024xf32, #tpu.memory_space<vmem_shared>>)
    %add3A_315 = arith.constant 80 : i32
    %add3A_316 = arith.addi %mul3A_2, %add3A_315 : i32
    %dma_start3A_317 = arith.constant 5 : i32
    %dma_start3A_318 = arith.constant 5 : i32
    %dma_start3A_319 = tpu.memref_slice %arg6[%dma_start3A_318] : memref<7x!tpu.dma_semaphore, #tpu.memory_space<semaphore_mem>> -> memref<1x!tpu.dma_semaphore, #tpu.memory_space<semaphore_mem>>
    %dma_start3A_320 = tpu.memref_squeeze %dma_start3A_319 : memref<1x!tpu.dma_semaphore, #tpu.memory_space<semaphore_mem>> -> memref<!tpu.dma_semaphore, #tpu.memory_space<semaphore_mem>>
    %dma_start3A_321 = arith.constant 0 : i32
    %dma_start3A_322 = tpu.memref_slice %arg3[%add3A_316, %dma_start3A_321] : memref<8192x1024xf32, #tpu.memory_space<hbm>> -> memref<16x1024xf32, #tpu.memory_space<hbm>>
    %dma_start3A_323 = arith.constant 0 : i32
    %dma_start3A_324 = arith.constant 0 : i32
    %dma_start3A_325 = tpu.memref_slice %arg4[%arg1, %dma_start3A_317, %dma_start3A_323, %dma_start3A_324] : memref<16x7x16x1024xf32, #tpu.memory_space<vmem_shared>> -> memref<1x1x16x1024xf32, #tpu.memory_space<vmem_shared>>
    %dma_start3A_326 = tpu.memref_squeeze %dma_start3A_325 : memref<1x1x16x1024xf32, #tpu.memory_space<vmem_shared>> -> memref<16x1024xf32, #tpu.memory_space<vmem_shared>>
    tpu.enqueue_dma source(%dma_start3A_326 : memref<16x1024xf32, #tpu.memory_space<vmem_shared>>) target(%dma_start3A_322 : memref<16x1024xf32, #tpu.memory_space<hbm>>) target_semaphore(%dma_start3A_320 : memref<!tpu.dma_semaphore, #tpu.memory_space<semaphore_mem>>)
    %dma_wait3A_327 = arith.constant 5 : i32
    %dma_wait3A_328 = arith.constant 5 : i32
    %dma_wait3A_329 = tpu.memref_slice %arg6[%dma_wait3A_328] : memref<7x!tpu.dma_semaphore, #tpu.memory_space<semaphore_mem>> -> memref<1x!tpu.dma_semaphore, #tpu.memory_space<semaphore_mem>>
    %dma_wait3A_330 = tpu.memref_squeeze %dma_wait3A_329 : memref<1x!tpu.dma_semaphore, #tpu.memory_space<semaphore_mem>> -> memref<!tpu.dma_semaphore, #tpu.memory_space<semaphore_mem>>
    %dma_wait3A_331 = arith.constant 0 : i32
    %dma_wait3A_332 = tpu.memref_slice %arg3[%add3A_316, %dma_wait3A_331] : memref<8192x1024xf32, #tpu.memory_space<hbm>> -> memref<16x1024xf32, #tpu.memory_space<hbm>>
    %dma_wait3A_333 = arith.constant 0 : i32
    %dma_wait3A_334 = arith.constant 0 : i32
    %dma_wait3A_335 = tpu.memref_slice %arg4[%arg1, %dma_wait3A_327, %dma_wait3A_333, %dma_wait3A_334] : memref<16x7x16x1024xf32, #tpu.memory_space<vmem_shared>> -> memref<1x1x16x1024xf32, #tpu.memory_space<vmem_shared>>
    %dma_wait3A_336 = tpu.memref_squeeze %dma_wait3A_335 : memref<1x1x16x1024xf32, #tpu.memory_space<vmem_shared>> -> memref<16x1024xf32, #tpu.memory_space<vmem_shared>>
    tpu.wait_dma2 semaphore(%dma_wait3A_330 : memref<!tpu.dma_semaphore, #tpu.memory_space<semaphore_mem>>) src(%dma_wait3A_336 : memref<16x1024xf32, #tpu.memory_space<vmem_shared>>) dst(%dma_wait3A_332 : memref<16x1024xf32, #tpu.memory_space<hbm>>)
    %add3A_337 = arith.constant 192 : i32
    %add3A_338 = arith.addi %mul3A_2, %add3A_337 : i32
    %dma_start3A_339 = arith.constant 5 : i32
    %dma_start3A_340 = arith.constant 5 : i32
    %dma_start3A_341 = tpu.memref_slice %arg5[%dma_start3A_340] : memref<7x!tpu.dma_semaphore, #tpu.memory_space<semaphore_mem>> -> memref<1x!tpu.dma_semaphore, #tpu.memory_space<semaphore_mem>>
    %dma_start3A_342 = tpu.memref_squeeze %dma_start3A_341 : memref<1x!tpu.dma_semaphore, #tpu.memory_space<semaphore_mem>> -> memref<!tpu.dma_semaphore, #tpu.memory_space<semaphore_mem>>
    %dma_start3A_343 = arith.constant 0 : i32
    %dma_start3A_344 = arith.constant 0 : i32
    %dma_start3A_345 = tpu.memref_slice %arg4[%arg1, %dma_start3A_339, %dma_start3A_343, %dma_start3A_344] : memref<16x7x16x1024xf32, #tpu.memory_space<vmem_shared>> -> memref<1x1x16x1024xf32, #tpu.memory_space<vmem_shared>>
    %dma_start3A_346 = tpu.memref_squeeze %dma_start3A_345 : memref<1x1x16x1024xf32, #tpu.memory_space<vmem_shared>> -> memref<16x1024xf32, #tpu.memory_space<vmem_shared>>
    %dma_start3A_347 = arith.constant 0 : i32
    %dma_start3A_348 = tpu.memref_slice %arg2[%add3A_338, %dma_start3A_347] : memref<8192x1024xf32, #tpu.memory_space<hbm>> -> memref<16x1024xf32, #tpu.memory_space<hbm>>
    tpu.enqueue_dma source(%dma_start3A_348 : memref<16x1024xf32, #tpu.memory_space<hbm>>) target(%dma_start3A_346 : memref<16x1024xf32, #tpu.memory_space<vmem_shared>>) target_semaphore(%dma_start3A_342 : memref<!tpu.dma_semaphore, #tpu.memory_space<semaphore_mem>>)
    %dma_wait3A_349 = arith.constant 6 : i32
    %dma_wait3A_350 = arith.constant 6 : i32
    %dma_wait3A_351 = tpu.memref_slice %arg5[%dma_wait3A_350] : memref<7x!tpu.dma_semaphore, #tpu.memory_space<semaphore_mem>> -> memref<1x!tpu.dma_semaphore, #tpu.memory_space<semaphore_mem>>
    %dma_wait3A_352 = tpu.memref_squeeze %dma_wait3A_351 : memref<1x!tpu.dma_semaphore, #tpu.memory_space<semaphore_mem>> -> memref<!tpu.dma_semaphore, #tpu.memory_space<semaphore_mem>>
    %dma_wait3A_353 = arith.constant 0 : i32
    %dma_wait3A_354 = arith.constant 0 : i32
    %dma_wait3A_355 = tpu.memref_slice %arg4[%arg1, %dma_wait3A_349, %dma_wait3A_353, %dma_wait3A_354] : memref<16x7x16x1024xf32, #tpu.memory_space<vmem_shared>> -> memref<1x1x16x1024xf32, #tpu.memory_space<vmem_shared>>
    %dma_wait3A_356 = tpu.memref_squeeze %dma_wait3A_355 : memref<1x1x16x1024xf32, #tpu.memory_space<vmem_shared>> -> memref<16x1024xf32, #tpu.memory_space<vmem_shared>>
    %dma_wait3A_357 = arith.constant 0 : i32
    %dma_wait3A_358 = tpu.memref_slice %arg2[%add3A_75, %dma_wait3A_357] : memref<8192x1024xf32, #tpu.memory_space<hbm>> -> memref<16x1024xf32, #tpu.memory_space<hbm>>
    tpu.wait_dma2 semaphore(%dma_wait3A_352 : memref<!tpu.dma_semaphore, #tpu.memory_space<semaphore_mem>>) src(%dma_wait3A_358 : memref<16x1024xf32, #tpu.memory_space<hbm>>) dst(%dma_wait3A_356 : memref<16x1024xf32, #tpu.memory_space<vmem_shared>>)
    %add3A_359 = arith.constant 96 : i32
    %add3A_360 = arith.addi %mul3A_2, %add3A_359 : i32
    %dma_start3A_361 = arith.constant 6 : i32
    %dma_start3A_362 = arith.constant 6 : i32
    %dma_start3A_363 = tpu.memref_slice %arg6[%dma_start3A_362] : memref<7x!tpu.dma_semaphore, #tpu.memory_space<semaphore_mem>> -> memref<1x!tpu.dma_semaphore, #tpu.memory_space<semaphore_mem>>
    %dma_start3A_364 = tpu.memref_squeeze %dma_start3A_363 : memref<1x!tpu.dma_semaphore, #tpu.memory_space<semaphore_mem>> -> memref<!tpu.dma_semaphore, #tpu.memory_space<semaphore_mem>>
    %dma_start3A_365 = arith.constant 0 : i32
    %dma_start3A_366 = tpu.memref_slice %arg3[%add3A_360, %dma_start3A_365] : memref<8192x1024xf32, #tpu.memory_space<hbm>> -> memref<16x1024xf32, #tpu.memory_space<hbm>>
    %dma_start3A_367 = arith.constant 0 : i32
    %dma_start3A_368 = arith.constant 0 : i32
    %dma_start3A_369 = tpu.memref_slice %arg4[%arg1, %dma_start3A_361, %dma_start3A_367, %dma_start3A_368] : memref<16x7x16x1024xf32, #tpu.memory_space<vmem_shared>> -> memref<1x1x16x1024xf32, #tpu.memory_space<vmem_shared>>
    %dma_start3A_370 = tpu.memref_squeeze %dma_start3A_369 : memref<1x1x16x1024xf32, #tpu.memory_space<vmem_shared>> -> memref<16x1024xf32, #tpu.memory_space<vmem_shared>>
    tpu.enqueue_dma source(%dma_start3A_370 : memref<16x1024xf32, #tpu.memory_space<vmem_shared>>) target(%dma_start3A_366 : memref<16x1024xf32, #tpu.memory_space<hbm>>) target_semaphore(%dma_start3A_364 : memref<!tpu.dma_semaphore, #tpu.memory_space<semaphore_mem>>)
    %dma_wait3A_371 = arith.constant 6 : i32
    %dma_wait3A_372 = arith.constant 6 : i32
    %dma_wait3A_373 = tpu.memref_slice %arg6[%dma_wait3A_372] : memref<7x!tpu.dma_semaphore, #tpu.memory_space<semaphore_mem>> -> memref<1x!tpu.dma_semaphore, #tpu.memory_space<semaphore_mem>>
    %dma_wait3A_374 = tpu.memref_squeeze %dma_wait3A_373 : memref<1x!tpu.dma_semaphore, #tpu.memory_space<semaphore_mem>> -> memref<!tpu.dma_semaphore, #tpu.memory_space<semaphore_mem>>
    %dma_wait3A_375 = arith.constant 0 : i32
    %dma_wait3A_376 = tpu.memref_slice %arg3[%add3A_360, %dma_wait3A_375] : memref<8192x1024xf32, #tpu.memory_space<hbm>> -> memref<16x1024xf32, #tpu.memory_space<hbm>>
    %dma_wait3A_377 = arith.constant 0 : i32
    %dma_wait3A_378 = arith.constant 0 : i32
    %dma_wait3A_379 = tpu.memref_slice %arg4[%arg1, %dma_wait3A_371, %dma_wait3A_377, %dma_wait3A_378] : memref<16x7x16x1024xf32, #tpu.memory_space<vmem_shared>> -> memref<1x1x16x1024xf32, #tpu.memory_space<vmem_shared>>
    %dma_wait3A_380 = tpu.memref_squeeze %dma_wait3A_379 : memref<1x1x16x1024xf32, #tpu.memory_space<vmem_shared>> -> memref<16x1024xf32, #tpu.memory_space<vmem_shared>>
    tpu.wait_dma2 semaphore(%dma_wait3A_374 : memref<!tpu.dma_semaphore, #tpu.memory_space<semaphore_mem>>) src(%dma_wait3A_380 : memref<16x1024xf32, #tpu.memory_space<vmem_shared>>) dst(%dma_wait3A_376 : memref<16x1024xf32, #tpu.memory_space<hbm>>)
    %add3A_381 = arith.constant 208 : i32
    %add3A_382 = arith.addi %mul3A_2, %add3A_381 : i32
    %dma_start3A_383 = arith.constant 6 : i32
    %dma_start3A_384 = arith.constant 6 : i32
    %dma_start3A_385 = tpu.memref_slice %arg5[%dma_start3A_384] : memref<7x!tpu.dma_semaphore, #tpu.memory_space<semaphore_mem>> -> memref<1x!tpu.dma_semaphore, #tpu.memory_space<semaphore_mem>>
    %dma_start3A_386 = tpu.memref_squeeze %dma_start3A_385 : memref<1x!tpu.dma_semaphore, #tpu.memory_space<semaphore_mem>> -> memref<!tpu.dma_semaphore, #tpu.memory_space<semaphore_mem>>
    %dma_start3A_387 = arith.constant 0 : i32
    %dma_start3A_388 = arith.constant 0 : i32
    %dma_start3A_389 = tpu.memref_slice %arg4[%arg1, %dma_start3A_383, %dma_start3A_387, %dma_start3A_388] : memref<16x7x16x1024xf32, #tpu.memory_space<vmem_shared>> -> memref<1x1x16x1024xf32, #tpu.memory_space<vmem_shared>>
    %dma_start3A_390 = tpu.memref_squeeze %dma_start3A_389 : memref<1x1x16x1024xf32, #tpu.memory_space<vmem_shared>> -> memref<16x1024xf32, #tpu.memory_space<vmem_shared>>
    %dma_start3A_391 = arith.constant 0 : i32
    %dma_start3A_392 = tpu.memref_slice %arg2[%add3A_382, %dma_start3A_391] : memref<8192x1024xf32, #tpu.memory_space<hbm>> -> memref<16x1024xf32, #tpu.memory_space<hbm>>
    tpu.enqueue_dma source(%dma_start3A_392 : memref<16x1024xf32, #tpu.memory_space<hbm>>) target(%dma_start3A_390 : memref<16x1024xf32, #tpu.memory_space<vmem_shared>>) target_semaphore(%dma_start3A_386 : memref<!tpu.dma_semaphore, #tpu.memory_space<semaphore_mem>>)
    %dma_wait3A_393 = arith.constant 0 : i32
    %dma_wait3A_394 = arith.constant 0 : i32
    %dma_wait3A_395 = tpu.memref_slice %arg5[%dma_wait3A_394] : memref<7x!tpu.dma_semaphore, #tpu.memory_space<semaphore_mem>> -> memref<1x!tpu.dma_semaphore, #tpu.memory_space<semaphore_mem>>
    %dma_wait3A_396 = tpu.memref_squeeze %dma_wait3A_395 : memref<1x!tpu.dma_semaphore, #tpu.memory_space<semaphore_mem>> -> memref<!tpu.dma_semaphore, #tpu.memory_space<semaphore_mem>>
    %dma_wait3A_397 = arith.constant 0 : i32
    %dma_wait3A_398 = arith.constant 0 : i32
    %dma_wait3A_399 = tpu.memref_slice %arg4[%arg1, %dma_wait3A_393, %dma_wait3A_397, %dma_wait3A_398] : memref<16x7x16x1024xf32, #tpu.memory_space<vmem_shared>> -> memref<1x1x16x1024xf32, #tpu.memory_space<vmem_shared>>
    %dma_wait3A_400 = tpu.memref_squeeze %dma_wait3A_399 : memref<1x1x16x1024xf32, #tpu.memory_space<vmem_shared>> -> memref<16x1024xf32, #tpu.memory_space<vmem_shared>>
    %dma_wait3A_401 = arith.constant 0 : i32
    %dma_wait3A_402 = tpu.memref_slice %arg2[%add3A_118, %dma_wait3A_401] : memref<8192x1024xf32, #tpu.memory_space<hbm>> -> memref<16x1024xf32, #tpu.memory_space<hbm>>
    tpu.wait_dma2 semaphore(%dma_wait3A_396 : memref<!tpu.dma_semaphore, #tpu.memory_space<semaphore_mem>>) src(%dma_wait3A_402 : memref<16x1024xf32, #tpu.memory_space<hbm>>) dst(%dma_wait3A_400 : memref<16x1024xf32, #tpu.memory_space<vmem_shared>>)
    %add3A_403 = arith.constant 112 : i32
    %add3A_404 = arith.addi %mul3A_2, %add3A_403 : i32
    %dma_start3A_405 = arith.constant 0 : i32
    %dma_start3A_406 = arith.constant 0 : i32
    %dma_start3A_407 = tpu.memref_slice %arg6[%dma_start3A_406] : memref<7x!tpu.dma_semaphore, #tpu.memory_space<semaphore_mem>> -> memref<1x!tpu.dma_semaphore, #tpu.memory_space<semaphore_mem>>
    %dma_start3A_408 = tpu.memref_squeeze %dma_start3A_407 : memref<1x!tpu.dma_semaphore, #tpu.memory_space<semaphore_mem>> -> memref<!tpu.dma_semaphore, #tpu.memory_space<semaphore_mem>>
    %dma_start3A_409 = arith.constant 0 : i32
    %dma_start3A_410 = tpu.memref_slice %arg3[%add3A_404, %dma_start3A_409] : memref<8192x1024xf32, #tpu.memory_space<hbm>> -> memref<16x1024xf32, #tpu.memory_space<hbm>>
    %dma_start3A_411 = arith.constant 0 : i32
    %dma_start3A_412 = arith.constant 0 : i32
    %dma_start3A_413 = tpu.memref_slice %arg4[%arg1, %dma_start3A_405, %dma_start3A_411, %dma_start3A_412] : memref<16x7x16x1024xf32, #tpu.memory_space<vmem_shared>> -> memref<1x1x16x1024xf32, #tpu.memory_space<vmem_shared>>
    %dma_start3A_414 = tpu.memref_squeeze %dma_start3A_413 : memref<1x1x16x1024xf32, #tpu.memory_space<vmem_shared>> -> memref<16x1024xf32, #tpu.memory_space<vmem_shared>>
    tpu.enqueue_dma source(%dma_start3A_414 : memref<16x1024xf32, #tpu.memory_space<vmem_shared>>) target(%dma_start3A_410 : memref<16x1024xf32, #tpu.memory_space<hbm>>) target_semaphore(%dma_start3A_408 : memref<!tpu.dma_semaphore, #tpu.memory_space<semaphore_mem>>)
    %dma_wait3A_415 = arith.constant 0 : i32
    %dma_wait3A_416 = arith.constant 0 : i32
    %dma_wait3A_417 = tpu.memref_slice %arg6[%dma_wait3A_416] : memref<7x!tpu.dma_semaphore, #tpu.memory_space<semaphore_mem>> -> memref<1x!tpu.dma_semaphore, #tpu.memory_space<semaphore_mem>>
    %dma_wait3A_418 = tpu.memref_squeeze %dma_wait3A_417 : memref<1x!tpu.dma_semaphore, #tpu.memory_space<semaphore_mem>> -> memref<!tpu.dma_semaphore, #tpu.memory_space<semaphore_mem>>
    %dma_wait3A_419 = arith.constant 0 : i32
    %dma_wait3A_420 = tpu.memref_slice %arg3[%add3A_404, %dma_wait3A_419] : memref<8192x1024xf32, #tpu.memory_space<hbm>> -> memref<16x1024xf32, #tpu.memory_space<hbm>>
    %dma_wait3A_421 = arith.constant 0 : i32
    %dma_wait3A_422 = arith.constant 0 : i32
    %dma_wait3A_423 = tpu.memref_slice %arg4[%arg1, %dma_wait3A_415, %dma_wait3A_421, %dma_wait3A_422] : memref<16x7x16x1024xf32, #tpu.memory_space<vmem_shared>> -> memref<1x1x16x1024xf32, #tpu.memory_space<vmem_shared>>
    %dma_wait3A_424 = tpu.memref_squeeze %dma_wait3A_423 : memref<1x1x16x1024xf32, #tpu.memory_space<vmem_shared>> -> memref<16x1024xf32, #tpu.memory_space<vmem_shared>>
    tpu.wait_dma2 semaphore(%dma_wait3A_418 : memref<!tpu.dma_semaphore, #tpu.memory_space<semaphore_mem>>) src(%dma_wait3A_424 : memref<16x1024xf32, #tpu.memory_space<vmem_shared>>) dst(%dma_wait3A_420 : memref<16x1024xf32, #tpu.memory_space<hbm>>)
    %add3A_425 = arith.constant 224 : i32
    %add3A_426 = arith.addi %mul3A_2, %add3A_425 : i32
    %dma_start3A_427 = arith.constant 0 : i32
    %dma_start3A_428 = arith.constant 0 : i32
    %dma_start3A_429 = tpu.memref_slice %arg5[%dma_start3A_428] : memref<7x!tpu.dma_semaphore, #tpu.memory_space<semaphore_mem>> -> memref<1x!tpu.dma_semaphore, #tpu.memory_space<semaphore_mem>>
    %dma_start3A_430 = tpu.memref_squeeze %dma_start3A_429 : memref<1x!tpu.dma_semaphore, #tpu.memory_space<semaphore_mem>> -> memref<!tpu.dma_semaphore, #tpu.memory_space<semaphore_mem>>
    %dma_start3A_431 = arith.constant 0 : i32
    %dma_start3A_432 = arith.constant 0 : i32
    %dma_start3A_433 = tpu.memref_slice %arg4[%arg1, %dma_start3A_427, %dma_start3A_431, %dma_start3A_432] : memref<16x7x16x1024xf32, #tpu.memory_space<vmem_shared>> -> memref<1x1x16x1024xf32, #tpu.memory_space<vmem_shared>>
    %dma_start3A_434 = tpu.memref_squeeze %dma_start3A_433 : memref<1x1x16x1024xf32, #tpu.memory_space<vmem_shared>> -> memref<16x1024xf32, #tpu.memory_space<vmem_shared>>
    %dma_start3A_435 = arith.constant 0 : i32
    %dma_start3A_436 = tpu.memref_slice %arg2[%add3A_426, %dma_start3A_435] : memref<8192x1024xf32, #tpu.memory_space<hbm>> -> memref<16x1024xf32, #tpu.memory_space<hbm>>
    tpu.enqueue_dma source(%dma_start3A_436 : memref<16x1024xf32, #tpu.memory_space<hbm>>) target(%dma_start3A_434 : memref<16x1024xf32, #tpu.memory_space<vmem_shared>>) target_semaphore(%dma_start3A_430 : memref<!tpu.dma_semaphore, #tpu.memory_space<semaphore_mem>>)
    %dma_wait3A_437 = arith.constant 1 : i32
    %dma_wait3A_438 = arith.constant 1 : i32
    %dma_wait3A_439 = tpu.memref_slice %arg5[%dma_wait3A_438] : memref<7x!tpu.dma_semaphore, #tpu.memory_space<semaphore_mem>> -> memref<1x!tpu.dma_semaphore, #tpu.memory_space<semaphore_mem>>
    %dma_wait3A_440 = tpu.memref_squeeze %dma_wait3A_439 : memref<1x!tpu.dma_semaphore, #tpu.memory_space<semaphore_mem>> -> memref<!tpu.dma_semaphore, #tpu.memory_space<semaphore_mem>>
    %dma_wait3A_441 = arith.constant 0 : i32
    %dma_wait3A_442 = arith.constant 0 : i32
    %dma_wait3A_443 = tpu.memref_slice %arg4[%arg1, %dma_wait3A_437, %dma_wait3A_441, %dma_wait3A_442] : memref<16x7x16x1024xf32, #tpu.memory_space<vmem_shared>> -> memref<1x1x16x1024xf32, #tpu.memory_space<vmem_shared>>
    %dma_wait3A_444 = tpu.memref_squeeze %dma_wait3A_443 : memref<1x1x16x1024xf32, #tpu.memory_space<vmem_shared>> -> memref<16x1024xf32, #tpu.memory_space<vmem_shared>>
    %dma_wait3A_445 = arith.constant 0 : i32
    %dma_wait3A_446 = tpu.memref_slice %arg2[%add3A_162, %dma_wait3A_445] : memref<8192x1024xf32, #tpu.memory_space<hbm>> -> memref<16x1024xf32, #tpu.memory_space<hbm>>
    tpu.wait_dma2 semaphore(%dma_wait3A_440 : memref<!tpu.dma_semaphore, #tpu.memory_space<semaphore_mem>>) src(%dma_wait3A_446 : memref<16x1024xf32, #tpu.memory_space<hbm>>) dst(%dma_wait3A_444 : memref<16x1024xf32, #tpu.memory_space<vmem_shared>>)
    %add3A_447 = arith.constant 128 : i32
    %add3A_448 = arith.addi %mul3A_2, %add3A_447 : i32
    %dma_start3A_449 = arith.constant 1 : i32
    %dma_start3A_450 = arith.constant 1 : i32
    %dma_start3A_451 = tpu.memref_slice %arg6[%dma_start3A_450] : memref<7x!tpu.dma_semaphore, #tpu.memory_space<semaphore_mem>> -> memref<1x!tpu.dma_semaphore, #tpu.memory_space<semaphore_mem>>
    %dma_start3A_452 = tpu.memref_squeeze %dma_start3A_451 : memref<1x!tpu.dma_semaphore, #tpu.memory_space<semaphore_mem>> -> memref<!tpu.dma_semaphore, #tpu.memory_space<semaphore_mem>>
    %dma_start3A_453 = arith.constant 0 : i32
    %dma_start3A_454 = tpu.memref_slice %arg3[%add3A_448, %dma_start3A_453] : memref<8192x1024xf32, #tpu.memory_space<hbm>> -> memref<16x1024xf32, #tpu.memory_space<hbm>>
    %dma_start3A_455 = arith.constant 0 : i32
    %dma_start3A_456 = arith.constant 0 : i32
    %dma_start3A_457 = tpu.memref_slice %arg4[%arg1, %dma_start3A_449, %dma_start3A_455, %dma_start3A_456] : memref<16x7x16x1024xf32, #tpu.memory_space<vmem_shared>> -> memref<1x1x16x1024xf32, #tpu.memory_space<vmem_shared>>
    %dma_start3A_458 = tpu.memref_squeeze %dma_start3A_457 : memref<1x1x16x1024xf32, #tpu.memory_space<vmem_shared>> -> memref<16x1024xf32, #tpu.memory_space<vmem_shared>>
    tpu.enqueue_dma source(%dma_start3A_458 : memref<16x1024xf32, #tpu.memory_space<vmem_shared>>) target(%dma_start3A_454 : memref<16x1024xf32, #tpu.memory_space<hbm>>) target_semaphore(%dma_start3A_452 : memref<!tpu.dma_semaphore, #tpu.memory_space<semaphore_mem>>)
    %dma_wait3A_459 = arith.constant 1 : i32
    %dma_wait3A_460 = arith.constant 1 : i32
    %dma_wait3A_461 = tpu.memref_slice %arg6[%dma_wait3A_460] : memref<7x!tpu.dma_semaphore, #tpu.memory_space<semaphore_mem>> -> memref<1x!tpu.dma_semaphore, #tpu.memory_space<semaphore_mem>>
    %dma_wait3A_462 = tpu.memref_squeeze %dma_wait3A_461 : memref<1x!tpu.dma_semaphore, #tpu.memory_space<semaphore_mem>> -> memref<!tpu.dma_semaphore, #tpu.memory_space<semaphore_mem>>
    %dma_wait3A_463 = arith.constant 0 : i32
    %dma_wait3A_464 = tpu.memref_slice %arg3[%add3A_448, %dma_wait3A_463] : memref<8192x1024xf32, #tpu.memory_space<hbm>> -> memref<16x1024xf32, #tpu.memory_space<hbm>>
    %dma_wait3A_465 = arith.constant 0 : i32
    %dma_wait3A_466 = arith.constant 0 : i32
    %dma_wait3A_467 = tpu.memref_slice %arg4[%arg1, %dma_wait3A_459, %dma_wait3A_465, %dma_wait3A_466] : memref<16x7x16x1024xf32, #tpu.memory_space<vmem_shared>> -> memref<1x1x16x1024xf32, #tpu.memory_space<vmem_shared>>
    %dma_wait3A_468 = tpu.memref_squeeze %dma_wait3A_467 : memref<1x1x16x1024xf32, #tpu.memory_space<vmem_shared>> -> memref<16x1024xf32, #tpu.memory_space<vmem_shared>>
    tpu.wait_dma2 semaphore(%dma_wait3A_462 : memref<!tpu.dma_semaphore, #tpu.memory_space<semaphore_mem>>) src(%dma_wait3A_468 : memref<16x1024xf32, #tpu.memory_space<vmem_shared>>) dst(%dma_wait3A_464 : memref<16x1024xf32, #tpu.memory_space<hbm>>)
    %add3A_469 = arith.constant 240 : i32
    %add3A_470 = arith.addi %mul3A_2, %add3A_469 : i32
    %dma_start3A_471 = arith.constant 1 : i32
    %dma_start3A_472 = arith.constant 1 : i32
    %dma_start3A_473 = tpu.memref_slice %arg5[%dma_start3A_472] : memref<7x!tpu.dma_semaphore, #tpu.memory_space<semaphore_mem>> -> memref<1x!tpu.dma_semaphore, #tpu.memory_space<semaphore_mem>>
    %dma_start3A_474 = tpu.memref_squeeze %dma_start3A_473 : memref<1x!tpu.dma_semaphore, #tpu.memory_space<semaphore_mem>> -> memref<!tpu.dma_semaphore, #tpu.memory_space<semaphore_mem>>
    %dma_start3A_475 = arith.constant 0 : i32
    %dma_start3A_476 = arith.constant 0 : i32
    %dma_start3A_477 = tpu.memref_slice %arg4[%arg1, %dma_start3A_471, %dma_start3A_475, %dma_start3A_476] : memref<16x7x16x1024xf32, #tpu.memory_space<vmem_shared>> -> memref<1x1x16x1024xf32, #tpu.memory_space<vmem_shared>>
    %dma_start3A_478 = tpu.memref_squeeze %dma_start3A_477 : memref<1x1x16x1024xf32, #tpu.memory_space<vmem_shared>> -> memref<16x1024xf32, #tpu.memory_space<vmem_shared>>
    %dma_start3A_479 = arith.constant 0 : i32
    %dma_start3A_480 = tpu.memref_slice %arg2[%add3A_470, %dma_start3A_479] : memref<8192x1024xf32, #tpu.memory_space<hbm>> -> memref<16x1024xf32, #tpu.memory_space<hbm>>
    tpu.enqueue_dma source(%dma_start3A_480 : memref<16x1024xf32, #tpu.memory_space<hbm>>) target(%dma_start3A_478 : memref<16x1024xf32, #tpu.memory_space<vmem_shared>>) target_semaphore(%dma_start3A_474 : memref<!tpu.dma_semaphore, #tpu.memory_space<semaphore_mem>>)
    %dma_wait3A_481 = arith.constant 2 : i32
    %dma_wait3A_482 = arith.constant 2 : i32
    %dma_wait3A_483 = tpu.memref_slice %arg5[%dma_wait3A_482] : memref<7x!tpu.dma_semaphore, #tpu.memory_space<semaphore_mem>> -> memref<1x!tpu.dma_semaphore, #tpu.memory_space<semaphore_mem>>
    %dma_wait3A_484 = tpu.memref_squeeze %dma_wait3A_483 : memref<1x!tpu.dma_semaphore, #tpu.memory_space<semaphore_mem>> -> memref<!tpu.dma_semaphore, #tpu.memory_space<semaphore_mem>>
    %dma_wait3A_485 = arith.constant 0 : i32
    %dma_wait3A_486 = arith.constant 0 : i32
    %dma_wait3A_487 = tpu.memref_slice %arg4[%arg1, %dma_wait3A_481, %dma_wait3A_485, %dma_wait3A_486] : memref<16x7x16x1024xf32, #tpu.memory_space<vmem_shared>> -> memref<1x1x16x1024xf32, #tpu.memory_space<vmem_shared>>
    %dma_wait3A_488 = tpu.memref_squeeze %dma_wait3A_487 : memref<1x1x16x1024xf32, #tpu.memory_space<vmem_shared>> -> memref<16x1024xf32, #tpu.memory_space<vmem_shared>>
    %dma_wait3A_489 = arith.constant 0 : i32
    %dma_wait3A_490 = tpu.memref_slice %arg2[%add3A_206, %dma_wait3A_489] : memref<8192x1024xf32, #tpu.memory_space<hbm>> -> memref<16x1024xf32, #tpu.memory_space<hbm>>
    tpu.wait_dma2 semaphore(%dma_wait3A_484 : memref<!tpu.dma_semaphore, #tpu.memory_space<semaphore_mem>>) src(%dma_wait3A_490 : memref<16x1024xf32, #tpu.memory_space<hbm>>) dst(%dma_wait3A_488 : memref<16x1024xf32, #tpu.memory_space<vmem_shared>>)
    %add3A_491 = arith.constant 144 : i32
    %add3A_492 = arith.addi %mul3A_2, %add3A_491 : i32
    %dma_start3A_493 = arith.constant 2 : i32
    %dma_start3A_494 = arith.constant 2 : i32
    %dma_start3A_495 = tpu.memref_slice %arg6[%dma_start3A_494] : memref<7x!tpu.dma_semaphore, #tpu.memory_space<semaphore_mem>> -> memref<1x!tpu.dma_semaphore, #tpu.memory_space<semaphore_mem>>
    %dma_start3A_496 = tpu.memref_squeeze %dma_start3A_495 : memref<1x!tpu.dma_semaphore, #tpu.memory_space<semaphore_mem>> -> memref<!tpu.dma_semaphore, #tpu.memory_space<semaphore_mem>>
    %dma_start3A_497 = arith.constant 0 : i32
    %dma_start3A_498 = tpu.memref_slice %arg3[%add3A_492, %dma_start3A_497] : memref<8192x1024xf32, #tpu.memory_space<hbm>> -> memref<16x1024xf32, #tpu.memory_space<hbm>>
    %dma_start3A_499 = arith.constant 0 : i32
    %dma_start3A_500 = arith.constant 0 : i32
    %dma_start3A_501 = tpu.memref_slice %arg4[%arg1, %dma_start3A_493, %dma_start3A_499, %dma_start3A_500] : memref<16x7x16x1024xf32, #tpu.memory_space<vmem_shared>> -> memref<1x1x16x1024xf32, #tpu.memory_space<vmem_shared>>
    %dma_start3A_502 = tpu.memref_squeeze %dma_start3A_501 : memref<1x1x16x1024xf32, #tpu.memory_space<vmem_shared>> -> memref<16x1024xf32, #tpu.memory_space<vmem_shared>>
    tpu.enqueue_dma source(%dma_start3A_502 : memref<16x1024xf32, #tpu.memory_space<vmem_shared>>) target(%dma_start3A_498 : memref<16x1024xf32, #tpu.memory_space<hbm>>) target_semaphore(%dma_start3A_496 : memref<!tpu.dma_semaphore, #tpu.memory_space<semaphore_mem>>)
    %dma_wait3A_503 = arith.constant 3 : i32
    %dma_wait3A_504 = arith.constant 3 : i32
    %dma_wait3A_505 = tpu.memref_slice %arg5[%dma_wait3A_504] : memref<7x!tpu.dma_semaphore, #tpu.memory_space<semaphore_mem>> -> memref<1x!tpu.dma_semaphore, #tpu.memory_space<semaphore_mem>>
    %dma_wait3A_506 = tpu.memref_squeeze %dma_wait3A_505 : memref<1x!tpu.dma_semaphore, #tpu.memory_space<semaphore_mem>> -> memref<!tpu.dma_semaphore, #tpu.memory_space<semaphore_mem>>
    %dma_wait3A_507 = arith.constant 0 : i32
    %dma_wait3A_508 = arith.constant 0 : i32
    %dma_wait3A_509 = tpu.memref_slice %arg4[%arg1, %dma_wait3A_503, %dma_wait3A_507, %dma_wait3A_508] : memref<16x7x16x1024xf32, #tpu.memory_space<vmem_shared>> -> memref<1x1x16x1024xf32, #tpu.memory_space<vmem_shared>>
    %dma_wait3A_510 = tpu.memref_squeeze %dma_wait3A_509 : memref<1x1x16x1024xf32, #tpu.memory_space<vmem_shared>> -> memref<16x1024xf32, #tpu.memory_space<vmem_shared>>
    %dma_wait3A_511 = arith.constant 0 : i32
    %dma_wait3A_512 = tpu.memref_slice %arg2[%add3A_250, %dma_wait3A_511] : memref<8192x1024xf32, #tpu.memory_space<hbm>> -> memref<16x1024xf32, #tpu.memory_space<hbm>>
    tpu.wait_dma2 semaphore(%dma_wait3A_506 : memref<!tpu.dma_semaphore, #tpu.memory_space<semaphore_mem>>) src(%dma_wait3A_512 : memref<16x1024xf32, #tpu.memory_space<hbm>>) dst(%dma_wait3A_510 : memref<16x1024xf32, #tpu.memory_space<vmem_shared>>)
    %add3A_513 = arith.constant 160 : i32
    %add3A_514 = arith.addi %mul3A_2, %add3A_513 : i32
    %dma_start3A_515 = arith.constant 3 : i32
    %dma_start3A_516 = arith.constant 3 : i32
    %dma_start3A_517 = tpu.memref_slice %arg6[%dma_start3A_516] : memref<7x!tpu.dma_semaphore, #tpu.memory_space<semaphore_mem>> -> memref<1x!tpu.dma_semaphore, #tpu.memory_space<semaphore_mem>>
    %dma_start3A_518 = tpu.memref_squeeze %dma_start3A_517 : memref<1x!tpu.dma_semaphore, #tpu.memory_space<semaphore_mem>> -> memref<!tpu.dma_semaphore, #tpu.memory_space<semaphore_mem>>
    %dma_start3A_519 = arith.constant 0 : i32
    %dma_start3A_520 = tpu.memref_slice %arg3[%add3A_514, %dma_start3A_519] : memref<8192x1024xf32, #tpu.memory_space<hbm>> -> memref<16x1024xf32, #tpu.memory_space<hbm>>
    %dma_start3A_521 = arith.constant 0 : i32
    %dma_start3A_522 = arith.constant 0 : i32
    %dma_start3A_523 = tpu.memref_slice %arg4[%arg1, %dma_start3A_515, %dma_start3A_521, %dma_start3A_522] : memref<16x7x16x1024xf32, #tpu.memory_space<vmem_shared>> -> memref<1x1x16x1024xf32, #tpu.memory_space<vmem_shared>>
    %dma_start3A_524 = tpu.memref_squeeze %dma_start3A_523 : memref<1x1x16x1024xf32, #tpu.memory_space<vmem_shared>> -> memref<16x1024xf32, #tpu.memory_space<vmem_shared>>
    tpu.enqueue_dma source(%dma_start3A_524 : memref<16x1024xf32, #tpu.memory_space<vmem_shared>>) target(%dma_start3A_520 : memref<16x1024xf32, #tpu.memory_space<hbm>>) target_semaphore(%dma_start3A_518 : memref<!tpu.dma_semaphore, #tpu.memory_space<semaphore_mem>>)
    %dma_wait3A_525 = arith.constant 4 : i32
    %dma_wait3A_526 = arith.constant 4 : i32
    %dma_wait3A_527 = tpu.memref_slice %arg5[%dma_wait3A_526] : memref<7x!tpu.dma_semaphore, #tpu.memory_space<semaphore_mem>> -> memref<1x!tpu.dma_semaphore, #tpu.memory_space<semaphore_mem>>
    %dma_wait3A_528 = tpu.memref_squeeze %dma_wait3A_527 : memref<1x!tpu.dma_semaphore, #tpu.memory_space<semaphore_mem>> -> memref<!tpu.dma_semaphore, #tpu.memory_space<semaphore_mem>>
    %dma_wait3A_529 = arith.constant 0 : i32
    %dma_wait3A_530 = arith.constant 0 : i32
    %dma_wait3A_531 = tpu.memref_slice %arg4[%arg1, %dma_wait3A_525, %dma_wait3A_529, %dma_wait3A_530] : memref<16x7x16x1024xf32, #tpu.memory_space<vmem_shared>> -> memref<1x1x16x1024xf32, #tpu.memory_space<vmem_shared>>
    %dma_wait3A_532 = tpu.memref_squeeze %dma_wait3A_531 : memref<1x1x16x1024xf32, #tpu.memory_space<vmem_shared>> -> memref<16x1024xf32, #tpu.memory_space<vmem_shared>>
    %dma_wait3A_533 = arith.constant 0 : i32
    %dma_wait3A_534 = tpu.memref_slice %arg2[%add3A_294, %dma_wait3A_533] : memref<8192x1024xf32, #tpu.memory_space<hbm>> -> memref<16x1024xf32, #tpu.memory_space<hbm>>
    tpu.wait_dma2 semaphore(%dma_wait3A_528 : memref<!tpu.dma_semaphore, #tpu.memory_space<semaphore_mem>>) src(%dma_wait3A_534 : memref<16x1024xf32, #tpu.memory_space<hbm>>) dst(%dma_wait3A_532 : memref<16x1024xf32, #tpu.memory_space<vmem_shared>>)
    %add3A_535 = arith.constant 176 : i32
    %add3A_536 = arith.addi %mul3A_2, %add3A_535 : i32
    %dma_start3A_537 = arith.constant 4 : i32
    %dma_start3A_538 = arith.constant 4 : i32
    %dma_start3A_539 = tpu.memref_slice %arg6[%dma_start3A_538] : memref<7x!tpu.dma_semaphore, #tpu.memory_space<semaphore_mem>> -> memref<1x!tpu.dma_semaphore, #tpu.memory_space<semaphore_mem>>
    %dma_start3A_540 = tpu.memref_squeeze %dma_start3A_539 : memref<1x!tpu.dma_semaphore, #tpu.memory_space<semaphore_mem>> -> memref<!tpu.dma_semaphore, #tpu.memory_space<semaphore_mem>>
    %dma_start3A_541 = arith.constant 0 : i32
    %dma_start3A_542 = tpu.memref_slice %arg3[%add3A_536, %dma_start3A_541] : memref<8192x1024xf32, #tpu.memory_space<hbm>> -> memref<16x1024xf32, #tpu.memory_space<hbm>>
    %dma_start3A_543 = arith.constant 0 : i32
    %dma_start3A_544 = arith.constant 0 : i32
    %dma_start3A_545 = tpu.memref_slice %arg4[%arg1, %dma_start3A_537, %dma_start3A_543, %dma_start3A_544] : memref<16x7x16x1024xf32, #tpu.memory_space<vmem_shared>> -> memref<1x1x16x1024xf32, #tpu.memory_space<vmem_shared>>
    %dma_start3A_546 = tpu.memref_squeeze %dma_start3A_545 : memref<1x1x16x1024xf32, #tpu.memory_space<vmem_shared>> -> memref<16x1024xf32, #tpu.memory_space<vmem_shared>>
    tpu.enqueue_dma source(%dma_start3A_546 : memref<16x1024xf32, #tpu.memory_space<vmem_shared>>) target(%dma_start3A_542 : memref<16x1024xf32, #tpu.memory_space<hbm>>) target_semaphore(%dma_start3A_540 : memref<!tpu.dma_semaphore, #tpu.memory_space<semaphore_mem>>)
    %dma_wait3A_547 = arith.constant 5 : i32
    %dma_wait3A_548 = arith.constant 5 : i32
    %dma_wait3A_549 = tpu.memref_slice %arg5[%dma_wait3A_548] : memref<7x!tpu.dma_semaphore, #tpu.memory_space<semaphore_mem>> -> memref<1x!tpu.dma_semaphore, #tpu.memory_space<semaphore_mem>>
    %dma_wait3A_550 = tpu.memref_squeeze %dma_wait3A_549 : memref<1x!tpu.dma_semaphore, #tpu.memory_space<semaphore_mem>> -> memref<!tpu.dma_semaphore, #tpu.memory_space<semaphore_mem>>
    %dma_wait3A_551 = arith.constant 0 : i32
    %dma_wait3A_552 = arith.constant 0 : i32
    %dma_wait3A_553 = tpu.memref_slice %arg4[%arg1, %dma_wait3A_547, %dma_wait3A_551, %dma_wait3A_552] : memref<16x7x16x1024xf32, #tpu.memory_space<vmem_shared>> -> memref<1x1x16x1024xf32, #tpu.memory_space<vmem_shared>>
    %dma_wait3A_554 = tpu.memref_squeeze %dma_wait3A_553 : memref<1x1x16x1024xf32, #tpu.memory_space<vmem_shared>> -> memref<16x1024xf32, #tpu.memory_space<vmem_shared>>
    %dma_wait3A_555 = arith.constant 0 : i32
    %dma_wait3A_556 = tpu.memref_slice %arg2[%add3A_338, %dma_wait3A_555] : memref<8192x1024xf32, #tpu.memory_space<hbm>> -> memref<16x1024xf32, #tpu.memory_space<hbm>>
    tpu.wait_dma2 semaphore(%dma_wait3A_550 : memref<!tpu.dma_semaphore, #tpu.memory_space<semaphore_mem>>) src(%dma_wait3A_556 : memref<16x1024xf32, #tpu.memory_space<hbm>>) dst(%dma_wait3A_554 : memref<16x1024xf32, #tpu.memory_space<vmem_shared>>)
    %add3A_557 = arith.constant 192 : i32
    %add3A_558 = arith.addi %mul3A_2, %add3A_557 : i32
    %dma_start3A_559 = arith.constant 5 : i32
    %dma_start3A_560 = arith.constant 5 : i32
    %dma_start3A_561 = tpu.memref_slice %arg6[%dma_start3A_560] : memref<7x!tpu.dma_semaphore, #tpu.memory_space<semaphore_mem>> -> memref<1x!tpu.dma_semaphore, #tpu.memory_space<semaphore_mem>>
    %dma_start3A_562 = tpu.memref_squeeze %dma_start3A_561 : memref<1x!tpu.dma_semaphore, #tpu.memory_space<semaphore_mem>> -> memref<!tpu.dma_semaphore, #tpu.memory_space<semaphore_mem>>
    %dma_start3A_563 = arith.constant 0 : i32
    %dma_start3A_564 = tpu.memref_slice %arg3[%add3A_558, %dma_start3A_563] : memref<8192x1024xf32, #tpu.memory_space<hbm>> -> memref<16x1024xf32, #tpu.memory_space<hbm>>
    %dma_start3A_565 = arith.constant 0 : i32
    %dma_start3A_566 = arith.constant 0 : i32
    %dma_start3A_567 = tpu.memref_slice %arg4[%arg1, %dma_start3A_559, %dma_start3A_565, %dma_start3A_566] : memref<16x7x16x1024xf32, #tpu.memory_space<vmem_shared>> -> memref<1x1x16x1024xf32, #tpu.memory_space<vmem_shared>>
    %dma_start3A_568 = tpu.memref_squeeze %dma_start3A_567 : memref<1x1x16x1024xf32, #tpu.memory_space<vmem_shared>> -> memref<16x1024xf32, #tpu.memory_space<vmem_shared>>
    tpu.enqueue_dma source(%dma_start3A_568 : memref<16x1024xf32, #tpu.memory_space<vmem_shared>>) target(%dma_start3A_564 : memref<16x1024xf32, #tpu.memory_space<hbm>>) target_semaphore(%dma_start3A_562 : memref<!tpu.dma_semaphore, #tpu.memory_space<semaphore_mem>>)
    %dma_wait3A_569 = arith.constant 6 : i32
    %dma_wait3A_570 = arith.constant 6 : i32
    %dma_wait3A_571 = tpu.memref_slice %arg5[%dma_wait3A_570] : memref<7x!tpu.dma_semaphore, #tpu.memory_space<semaphore_mem>> -> memref<1x!tpu.dma_semaphore, #tpu.memory_space<semaphore_mem>>
    %dma_wait3A_572 = tpu.memref_squeeze %dma_wait3A_571 : memref<1x!tpu.dma_semaphore, #tpu.memory_space<semaphore_mem>> -> memref<!tpu.dma_semaphore, #tpu.memory_space<semaphore_mem>>
    %dma_wait3A_573 = arith.constant 0 : i32
    %dma_wait3A_574 = arith.constant 0 : i32
    %dma_wait3A_575 = tpu.memref_slice %arg4[%arg1, %dma_wait3A_569, %dma_wait3A_573, %dma_wait3A_574] : memref<16x7x16x1024xf32, #tpu.memory_space<vmem_shared>> -> memref<1x1x16x1024xf32, #tpu.memory_space<vmem_shared>>
    %dma_wait3A_576 = tpu.memref_squeeze %dma_wait3A_575 : memref<1x1x16x1024xf32, #tpu.memory_space<vmem_shared>> -> memref<16x1024xf32, #tpu.memory_space<vmem_shared>>
    %dma_wait3A_577 = arith.constant 0 : i32
    %dma_wait3A_578 = tpu.memref_slice %arg2[%add3A_382, %dma_wait3A_577] : memref<8192x1024xf32, #tpu.memory_space<hbm>> -> memref<16x1024xf32, #tpu.memory_space<hbm>>
    tpu.wait_dma2 semaphore(%dma_wait3A_572 : memref<!tpu.dma_semaphore, #tpu.memory_space<semaphore_mem>>) src(%dma_wait3A_578 : memref<16x1024xf32, #tpu.memory_space<hbm>>) dst(%dma_wait3A_576 : memref<16x1024xf32, #tpu.memory_space<vmem_shared>>)
    %add3A_579 = arith.constant 208 : i32
    %add3A_580 = arith.addi %mul3A_2, %add3A_579 : i32
    %dma_start3A_581 = arith.constant 6 : i32
    %dma_start3A_582 = arith.constant 6 : i32
    %dma_start3A_583 = tpu.memref_slice %arg6[%dma_start3A_582] : memref<7x!tpu.dma_semaphore, #tpu.memory_space<semaphore_mem>> -> memref<1x!tpu.dma_semaphore, #tpu.memory_space<semaphore_mem>>
    %dma_start3A_584 = tpu.memref_squeeze %dma_start3A_583 : memref<1x!tpu.dma_semaphore, #tpu.memory_space<semaphore_mem>> -> memref<!tpu.dma_semaphore, #tpu.memory_space<semaphore_mem>>
    %dma_start3A_585 = arith.constant 0 : i32
    %dma_start3A_586 = tpu.memref_slice %arg3[%add3A_580, %dma_start3A_585] : memref<8192x1024xf32, #tpu.memory_space<hbm>> -> memref<16x1024xf32, #tpu.memory_space<hbm>>
    %dma_start3A_587 = arith.constant 0 : i32
    %dma_start3A_588 = arith.constant 0 : i32
    %dma_start3A_589 = tpu.memref_slice %arg4[%arg1, %dma_start3A_581, %dma_start3A_587, %dma_start3A_588] : memref<16x7x16x1024xf32, #tpu.memory_space<vmem_shared>> -> memref<1x1x16x1024xf32, #tpu.memory_space<vmem_shared>>
    %dma_start3A_590 = tpu.memref_squeeze %dma_start3A_589 : memref<1x1x16x1024xf32, #tpu.memory_space<vmem_shared>> -> memref<16x1024xf32, #tpu.memory_space<vmem_shared>>
    tpu.enqueue_dma source(%dma_start3A_590 : memref<16x1024xf32, #tpu.memory_space<vmem_shared>>) target(%dma_start3A_586 : memref<16x1024xf32, #tpu.memory_space<hbm>>) target_semaphore(%dma_start3A_584 : memref<!tpu.dma_semaphore, #tpu.memory_space<semaphore_mem>>)
    %dma_wait3A_591 = arith.constant 0 : i32
    %dma_wait3A_592 = arith.constant 0 : i32
    %dma_wait3A_593 = tpu.memref_slice %arg5[%dma_wait3A_592] : memref<7x!tpu.dma_semaphore, #tpu.memory_space<semaphore_mem>> -> memref<1x!tpu.dma_semaphore, #tpu.memory_space<semaphore_mem>>
    %dma_wait3A_594 = tpu.memref_squeeze %dma_wait3A_593 : memref<1x!tpu.dma_semaphore, #tpu.memory_space<semaphore_mem>> -> memref<!tpu.dma_semaphore, #tpu.memory_space<semaphore_mem>>
    %dma_wait3A_595 = arith.constant 0 : i32
    %dma_wait3A_596 = arith.constant 0 : i32
    %dma_wait3A_597 = tpu.memref_slice %arg4[%arg1, %dma_wait3A_591, %dma_wait3A_595, %dma_wait3A_596] : memref<16x7x16x1024xf32, #tpu.memory_space<vmem_shared>> -> memref<1x1x16x1024xf32, #tpu.memory_space<vmem_shared>>
    %dma_wait3A_598 = tpu.memref_squeeze %dma_wait3A_597 : memref<1x1x16x1024xf32, #tpu.memory_space<vmem_shared>> -> memref<16x1024xf32, #tpu.memory_space<vmem_shared>>
    %dma_wait3A_599 = arith.constant 0 : i32
    %dma_wait3A_600 = tpu.memref_slice %arg2[%add3A_426, %dma_wait3A_599] : memref<8192x1024xf32, #tpu.memory_space<hbm>> -> memref<16x1024xf32, #tpu.memory_space<hbm>>
    tpu.wait_dma2 semaphore(%dma_wait3A_594 : memref<!tpu.dma_semaphore, #tpu.memory_space<semaphore_mem>>) src(%dma_wait3A_600 : memref<16x1024xf32, #tpu.memory_space<hbm>>) dst(%dma_wait3A_598 : memref<16x1024xf32, #tpu.memory_space<vmem_shared>>)
    %add3A_601 = arith.constant 224 : i32
    %add3A_602 = arith.addi %mul3A_2, %add3A_601 : i32
    %dma_start3A_603 = arith.constant 0 : i32
    %dma_start3A_604 = arith.constant 0 : i32
    %dma_start3A_605 = tpu.memref_slice %arg6[%dma_start3A_604] : memref<7x!tpu.dma_semaphore, #tpu.memory_space<semaphore_mem>> -> memref<1x!tpu.dma_semaphore, #tpu.memory_space<semaphore_mem>>
    %dma_start3A_606 = tpu.memref_squeeze %dma_start3A_605 : memref<1x!tpu.dma_semaphore, #tpu.memory_space<semaphore_mem>> -> memref<!tpu.dma_semaphore, #tpu.memory_space<semaphore_mem>>
    %dma_start3A_607 = arith.constant 0 : i32
    %dma_start3A_608 = tpu.memref_slice %arg3[%add3A_602, %dma_start3A_607] : memref<8192x1024xf32, #tpu.memory_space<hbm>> -> memref<16x1024xf32, #tpu.memory_space<hbm>>
    %dma_start3A_609 = arith.constant 0 : i32
    %dma_start3A_610 = arith.constant 0 : i32
    %dma_start3A_611 = tpu.memref_slice %arg4[%arg1, %dma_start3A_603, %dma_start3A_609, %dma_start3A_610] : memref<16x7x16x1024xf32, #tpu.memory_space<vmem_shared>> -> memref<1x1x16x1024xf32, #tpu.memory_space<vmem_shared>>
    %dma_start3A_612 = tpu.memref_squeeze %dma_start3A_611 : memref<1x1x16x1024xf32, #tpu.memory_space<vmem_shared>> -> memref<16x1024xf32, #tpu.memory_space<vmem_shared>>
    tpu.enqueue_dma source(%dma_start3A_612 : memref<16x1024xf32, #tpu.memory_space<vmem_shared>>) target(%dma_start3A_608 : memref<16x1024xf32, #tpu.memory_space<hbm>>) target_semaphore(%dma_start3A_606 : memref<!tpu.dma_semaphore, #tpu.memory_space<semaphore_mem>>)
    %dma_wait3A_613 = arith.constant 1 : i32
    %dma_wait3A_614 = arith.constant 1 : i32
    %dma_wait3A_615 = tpu.memref_slice %arg5[%dma_wait3A_614] : memref<7x!tpu.dma_semaphore, #tpu.memory_space<semaphore_mem>> -> memref<1x!tpu.dma_semaphore, #tpu.memory_space<semaphore_mem>>
    %dma_wait3A_616 = tpu.memref_squeeze %dma_wait3A_615 : memref<1x!tpu.dma_semaphore, #tpu.memory_space<semaphore_mem>> -> memref<!tpu.dma_semaphore, #tpu.memory_space<semaphore_mem>>
    %dma_wait3A_617 = arith.constant 0 : i32
    %dma_wait3A_618 = arith.constant 0 : i32
    %dma_wait3A_619 = tpu.memref_slice %arg4[%arg1, %dma_wait3A_613, %dma_wait3A_617, %dma_wait3A_618] : memref<16x7x16x1024xf32, #tpu.memory_space<vmem_shared>> -> memref<1x1x16x1024xf32, #tpu.memory_space<vmem_shared>>
    %dma_wait3A_620 = tpu.memref_squeeze %dma_wait3A_619 : memref<1x1x16x1024xf32, #tpu.memory_space<vmem_shared>> -> memref<16x1024xf32, #tpu.memory_space<vmem_shared>>
    %dma_wait3A_621 = arith.constant 0 : i32
    %dma_wait3A_622 = tpu.memref_slice %arg2[%add3A_470, %dma_wait3A_621] : memref<8192x1024xf32, #tpu.memory_space<hbm>> -> memref<16x1024xf32, #tpu.memory_space<hbm>>
    tpu.wait_dma2 semaphore(%dma_wait3A_616 : memref<!tpu.dma_semaphore, #tpu.memory_space<semaphore_mem>>) src(%dma_wait3A_622 : memref<16x1024xf32, #tpu.memory_space<hbm>>) dst(%dma_wait3A_620 : memref<16x1024xf32, #tpu.memory_space<vmem_shared>>)
    %add3A_623 = arith.constant 240 : i32
    %add3A_624 = arith.addi %mul3A_2, %add3A_623 : i32
    %dma_start3A_625 = arith.constant 1 : i32
    %dma_start3A_626 = arith.constant 1 : i32
    %dma_start3A_627 = tpu.memref_slice %arg6[%dma_start3A_626] : memref<7x!tpu.dma_semaphore, #tpu.memory_space<semaphore_mem>> -> memref<1x!tpu.dma_semaphore, #tpu.memory_space<semaphore_mem>>
    %dma_start3A_628 = tpu.memref_squeeze %dma_start3A_627 : memref<1x!tpu.dma_semaphore, #tpu.memory_space<semaphore_mem>> -> memref<!tpu.dma_semaphore, #tpu.memory_space<semaphore_mem>>
    %dma_start3A_629 = arith.constant 0 : i32
    %dma_start3A_630 = tpu.memref_slice %arg3[%add3A_624, %dma_start3A_629] : memref<8192x1024xf32, #tpu.memory_space<hbm>> -> memref<16x1024xf32, #tpu.memory_space<hbm>>
    %dma_start3A_631 = arith.constant 0 : i32
    %dma_start3A_632 = arith.constant 0 : i32
    %dma_start3A_633 = tpu.memref_slice %arg4[%arg1, %dma_start3A_625, %dma_start3A_631, %dma_start3A_632] : memref<16x7x16x1024xf32, #tpu.memory_space<vmem_shared>> -> memref<1x1x16x1024xf32, #tpu.memory_space<vmem_shared>>
    %dma_start3A_634 = tpu.memref_squeeze %dma_start3A_633 : memref<1x1x16x1024xf32, #tpu.memory_space<vmem_shared>> -> memref<16x1024xf32, #tpu.memory_space<vmem_shared>>
    tpu.enqueue_dma source(%dma_start3A_634 : memref<16x1024xf32, #tpu.memory_space<vmem_shared>>) target(%dma_start3A_630 : memref<16x1024xf32, #tpu.memory_space<hbm>>) target_semaphore(%dma_start3A_628 : memref<!tpu.dma_semaphore, #tpu.memory_space<semaphore_mem>>)
    %dma_wait3A_635 = arith.constant 2 : i32
    %dma_wait3A_636 = arith.constant 2 : i32
    %dma_wait3A_637 = tpu.memref_slice %arg6[%dma_wait3A_636] : memref<7x!tpu.dma_semaphore, #tpu.memory_space<semaphore_mem>> -> memref<1x!tpu.dma_semaphore, #tpu.memory_space<semaphore_mem>>
    %dma_wait3A_638 = tpu.memref_squeeze %dma_wait3A_637 : memref<1x!tpu.dma_semaphore, #tpu.memory_space<semaphore_mem>> -> memref<!tpu.dma_semaphore, #tpu.memory_space<semaphore_mem>>
    %dma_wait3A_639 = arith.constant 0 : i32
    %dma_wait3A_640 = tpu.memref_slice %arg3[%add3A_492, %dma_wait3A_639] : memref<8192x1024xf32, #tpu.memory_space<hbm>> -> memref<16x1024xf32, #tpu.memory_space<hbm>>
    %dma_wait3A_641 = arith.constant 0 : i32
    %dma_wait3A_642 = arith.constant 0 : i32
    %dma_wait3A_643 = tpu.memref_slice %arg4[%arg1, %dma_wait3A_635, %dma_wait3A_641, %dma_wait3A_642] : memref<16x7x16x1024xf32, #tpu.memory_space<vmem_shared>> -> memref<1x1x16x1024xf32, #tpu.memory_space<vmem_shared>>
    %dma_wait3A_644 = tpu.memref_squeeze %dma_wait3A_643 : memref<1x1x16x1024xf32, #tpu.memory_space<vmem_shared>> -> memref<16x1024xf32, #tpu.memory_space<vmem_shared>>
    tpu.wait_dma2 semaphore(%dma_wait3A_638 : memref<!tpu.dma_semaphore, #tpu.memory_space<semaphore_mem>>) src(%dma_wait3A_644 : memref<16x1024xf32, #tpu.memory_space<vmem_shared>>) dst(%dma_wait3A_640 : memref<16x1024xf32, #tpu.memory_space<hbm>>)
    %dma_wait3A_645 = arith.constant 3 : i32
    %dma_wait3A_646 = arith.constant 3 : i32
    %dma_wait3A_647 = tpu.memref_slice %arg6[%dma_wait3A_646] : memref<7x!tpu.dma_semaphore, #tpu.memory_space<semaphore_mem>> -> memref<1x!tpu.dma_semaphore, #tpu.memory_space<semaphore_mem>>
    %dma_wait3A_648 = tpu.memref_squeeze %dma_wait3A_647 : memref<1x!tpu.dma_semaphore, #tpu.memory_space<semaphore_mem>> -> memref<!tpu.dma_semaphore, #tpu.memory_space<semaphore_mem>>
    %dma_wait3A_649 = arith.constant 0 : i32
    %dma_wait3A_650 = tpu.memref_slice %arg3[%add3A_514, %dma_wait3A_649] : memref<8192x1024xf32, #tpu.memory_space<hbm>> -> memref<16x1024xf32, #tpu.memory_space<hbm>>
    %dma_wait3A_651 = arith.constant 0 : i32
    %dma_wait3A_652 = arith.constant 0 : i32
    %dma_wait3A_653 = tpu.memref_slice %arg4[%arg1, %dma_wait3A_645, %dma_wait3A_651, %dma_wait3A_652] : memref<16x7x16x1024xf32, #tpu.memory_space<vmem_shared>> -> memref<1x1x16x1024xf32, #tpu.memory_space<vmem_shared>>
    %dma_wait3A_654 = tpu.memref_squeeze %dma_wait3A_653 : memref<1x1x16x1024xf32, #tpu.memory_space<vmem_shared>> -> memref<16x1024xf32, #tpu.memory_space<vmem_shared>>
    tpu.wait_dma2 semaphore(%dma_wait3A_648 : memref<!tpu.dma_semaphore, #tpu.memory_space<semaphore_mem>>) src(%dma_wait3A_654 : memref<16x1024xf32, #tpu.memory_space<vmem_shared>>) dst(%dma_wait3A_650 : memref<16x1024xf32, #tpu.memory_space<hbm>>)
    %dma_wait3A_655 = arith.constant 4 : i32
    %dma_wait3A_656 = arith.constant 4 : i32
    %dma_wait3A_657 = tpu.memref_slice %arg6[%dma_wait3A_656] : memref<7x!tpu.dma_semaphore, #tpu.memory_space<semaphore_mem>> -> memref<1x!tpu.dma_semaphore, #tpu.memory_space<semaphore_mem>>
    %dma_wait3A_658 = tpu.memref_squeeze %dma_wait3A_657 : memref<1x!tpu.dma_semaphore, #tpu.memory_space<semaphore_mem>> -> memref<!tpu.dma_semaphore, #tpu.memory_space<semaphore_mem>>
    %dma_wait3A_659 = arith.constant 0 : i32
    %dma_wait3A_660 = tpu.memref_slice %arg3[%add3A_536, %dma_wait3A_659] : memref<8192x1024xf32, #tpu.memory_space<hbm>> -> memref<16x1024xf32, #tpu.memory_space<hbm>>
    %dma_wait3A_661 = arith.constant 0 : i32
    %dma_wait3A_662 = arith.constant 0 : i32
    %dma_wait3A_663 = tpu.memref_slice %arg4[%arg1, %dma_wait3A_655, %dma_wait3A_661, %dma_wait3A_662] : memref<16x7x16x1024xf32, #tpu.memory_space<vmem_shared>> -> memref<1x1x16x1024xf32, #tpu.memory_space<vmem_shared>>
    %dma_wait3A_664 = tpu.memref_squeeze %dma_wait3A_663 : memref<1x1x16x1024xf32, #tpu.memory_space<vmem_shared>> -> memref<16x1024xf32, #tpu.memory_space<vmem_shared>>
    tpu.wait_dma2 semaphore(%dma_wait3A_658 : memref<!tpu.dma_semaphore, #tpu.memory_space<semaphore_mem>>) src(%dma_wait3A_664 : memref<16x1024xf32, #tpu.memory_space<vmem_shared>>) dst(%dma_wait3A_660 : memref<16x1024xf32, #tpu.memory_space<hbm>>)
    %dma_wait3A_665 = arith.constant 5 : i32
    %dma_wait3A_666 = arith.constant 5 : i32
    %dma_wait3A_667 = tpu.memref_slice %arg6[%dma_wait3A_666] : memref<7x!tpu.dma_semaphore, #tpu.memory_space<semaphore_mem>> -> memref<1x!tpu.dma_semaphore, #tpu.memory_space<semaphore_mem>>
    %dma_wait3A_668 = tpu.memref_squeeze %dma_wait3A_667 : memref<1x!tpu.dma_semaphore, #tpu.memory_space<semaphore_mem>> -> memref<!tpu.dma_semaphore, #tpu.memory_space<semaphore_mem>>
    %dma_wait3A_669 = arith.constant 0 : i32
    %dma_wait3A_670 = tpu.memref_slice %arg3[%add3A_558, %dma_wait3A_669] : memref<8192x1024xf32, #tpu.memory_space<hbm>> -> memref<16x1024xf32, #tpu.memory_space<hbm>>
    %dma_wait3A_671 = arith.constant 0 : i32
    %dma_wait3A_672 = arith.constant 0 : i32
    %dma_wait3A_673 = tpu.memref_slice %arg4[%arg1, %dma_wait3A_665, %dma_wait3A_671, %dma_wait3A_672] : memref<16x7x16x1024xf32, #tpu.memory_space<vmem_shared>> -> memref<1x1x16x1024xf32, #tpu.memory_space<vmem_shared>>
    %dma_wait3A_674 = tpu.memref_squeeze %dma_wait3A_673 : memref<1x1x16x1024xf32, #tpu.memory_space<vmem_shared>> -> memref<16x1024xf32, #tpu.memory_space<vmem_shared>>
    tpu.wait_dma2 semaphore(%dma_wait3A_668 : memref<!tpu.dma_semaphore, #tpu.memory_space<semaphore_mem>>) src(%dma_wait3A_674 : memref<16x1024xf32, #tpu.memory_space<vmem_shared>>) dst(%dma_wait3A_670 : memref<16x1024xf32, #tpu.memory_space<hbm>>)
    %dma_wait3A_675 = arith.constant 6 : i32
    %dma_wait3A_676 = arith.constant 6 : i32
    %dma_wait3A_677 = tpu.memref_slice %arg6[%dma_wait3A_676] : memref<7x!tpu.dma_semaphore, #tpu.memory_space<semaphore_mem>> -> memref<1x!tpu.dma_semaphore, #tpu.memory_space<semaphore_mem>>
    %dma_wait3A_678 = tpu.memref_squeeze %dma_wait3A_677 : memref<1x!tpu.dma_semaphore, #tpu.memory_space<semaphore_mem>> -> memref<!tpu.dma_semaphore, #tpu.memory_space<semaphore_mem>>
    %dma_wait3A_679 = arith.constant 0 : i32
    %dma_wait3A_680 = tpu.memref_slice %arg3[%add3A_580, %dma_wait3A_679] : memref<8192x1024xf32, #tpu.memory_space<hbm>> -> memref<16x1024xf32, #tpu.memory_space<hbm>>
    %dma_wait3A_681 = arith.constant 0 : i32
    %dma_wait3A_682 = arith.constant 0 : i32
    %dma_wait3A_683 = tpu.memref_slice %arg4[%arg1, %dma_wait3A_675, %dma_wait3A_681, %dma_wait3A_682] : memref<16x7x16x1024xf32, #tpu.memory_space<vmem_shared>> -> memref<1x1x16x1024xf32, #tpu.memory_space<vmem_shared>>
    %dma_wait3A_684 = tpu.memref_squeeze %dma_wait3A_683 : memref<1x1x16x1024xf32, #tpu.memory_space<vmem_shared>> -> memref<16x1024xf32, #tpu.memory_space<vmem_shared>>
    tpu.wait_dma2 semaphore(%dma_wait3A_678 : memref<!tpu.dma_semaphore, #tpu.memory_space<semaphore_mem>>) src(%dma_wait3A_684 : memref<16x1024xf32, #tpu.memory_space<vmem_shared>>) dst(%dma_wait3A_680 : memref<16x1024xf32, #tpu.memory_space<hbm>>)
    %dma_wait3A_685 = arith.constant 0 : i32
    %dma_wait3A_686 = arith.constant 0 : i32
    %dma_wait3A_687 = tpu.memref_slice %arg6[%dma_wait3A_686] : memref<7x!tpu.dma_semaphore, #tpu.memory_space<semaphore_mem>> -> memref<1x!tpu.dma_semaphore, #tpu.memory_space<semaphore_mem>>
    %dma_wait3A_688 = tpu.memref_squeeze %dma_wait3A_687 : memref<1x!tpu.dma_semaphore, #tpu.memory_space<semaphore_mem>> -> memref<!tpu.dma_semaphore, #tpu.memory_space<semaphore_mem>>
    %dma_wait3A_689 = arith.constant 0 : i32
    %dma_wait3A_690 = tpu.memref_slice %arg3[%add3A_602, %dma_wait3A_689] : memref<8192x1024xf32, #tpu.memory_space<hbm>> -> memref<16x1024xf32, #tpu.memory_space<hbm>>
    %dma_wait3A_691 = arith.constant 0 : i32
    %dma_wait3A_692 = arith.constant 0 : i32
    %dma_wait3A_693 = tpu.memref_slice %arg4[%arg1, %dma_wait3A_685, %dma_wait3A_691, %dma_wait3A_692] : memref<16x7x16x1024xf32, #tpu.memory_space<vmem_shared>> -> memref<1x1x16x1024xf32, #tpu.memory_space<vmem_shared>>
    %dma_wait3A_694 = tpu.memref_squeeze %dma_wait3A_693 : memref<1x1x16x1024xf32, #tpu.memory_space<vmem_shared>> -> memref<16x1024xf32, #tpu.memory_space<vmem_shared>>
    tpu.wait_dma2 semaphore(%dma_wait3A_688 : memref<!tpu.dma_semaphore, #tpu.memory_space<semaphore_mem>>) src(%dma_wait3A_694 : memref<16x1024xf32, #tpu.memory_space<vmem_shared>>) dst(%dma_wait3A_690 : memref<16x1024xf32, #tpu.memory_space<hbm>>)
    %dma_wait3A_695 = arith.constant 1 : i32
    %dma_wait3A_696 = arith.constant 1 : i32
    %dma_wait3A_697 = tpu.memref_slice %arg6[%dma_wait3A_696] : memref<7x!tpu.dma_semaphore, #tpu.memory_space<semaphore_mem>> -> memref<1x!tpu.dma_semaphore, #tpu.memory_space<semaphore_mem>>
    %dma_wait3A_698 = tpu.memref_squeeze %dma_wait3A_697 : memref<1x!tpu.dma_semaphore, #tpu.memory_space<semaphore_mem>> -> memref<!tpu.dma_semaphore, #tpu.memory_space<semaphore_mem>>
    %dma_wait3A_699 = arith.constant 0 : i32
    %dma_wait3A_700 = tpu.memref_slice %arg3[%add3A_624, %dma_wait3A_699] : memref<8192x1024xf32, #tpu.memory_space<hbm>> -> memref<16x1024xf32, #tpu.memory_space<hbm>>
    %dma_wait3A_701 = arith.constant 0 : i32
    %dma_wait3A_702 = arith.constant 0 : i32
    %dma_wait3A_703 = tpu.memref_slice %arg4[%arg1, %dma_wait3A_695, %dma_wait3A_701, %dma_wait3A_702] : memref<16x7x16x1024xf32, #tpu.memory_space<vmem_shared>> -> memref<1x1x16x1024xf32, #tpu.memory_space<vmem_shared>>
    %dma_wait3A_704 = tpu.memref_squeeze %dma_wait3A_703 : memref<1x1x16x1024xf32, #tpu.memory_space<vmem_shared>> -> memref<16x1024xf32, #tpu.memory_space<vmem_shared>>
    tpu.wait_dma2 semaphore(%dma_wait3A_698 : memref<!tpu.dma_semaphore, #tpu.memory_space<semaphore_mem>>) src(%dma_wait3A_704 : memref<16x1024xf32, #tpu.memory_space<vmem_shared>>) dst(%dma_wait3A_700 : memref<16x1024xf32, #tpu.memory_space<hbm>>)
    return
  }
}

</mosaic_0001>

<sc_bundles>
// kernel: kernel.3.cloned.1.call-start
scs
__scs_entry_jumppad:
0x0: {  	(pc) =	sbr.rel $0x88, $3  }
0x1: {  	(tag) =	ssettag $0x0;
	lr =	simm.s32 $0x1  }
0x2: {  	[smem:$0x3FA0] =	sst lr;
	_ =	strace $0xD0000000  }
0x3: {  	_ = 	snop  }
0x4: {  	_ = 	snop  }
0x5: {  	_ = 	snop  }
0x6: {  	_ = 	snop  }
0x7: {  	_ = 	snop  }
__scs_overlays_trampoline_lowered:
0x8: {  	[smem:$0x3FAF] =	sst s0  }
0x9: {  	[smem:$0x3FB0] =	sst s1  }
0xa: {  	[smem:$0x3FB1] =	sst s2  }
0xb: {  	[smem:$0x3FB2] =	sst s3  }
0xc: {  	[smem:$0x3FB3] =	sst s4  }
0xd: {  	[smem:$0x3FB4] =	sst s5  }
0xe: {  	[smem:$0x3FB5] =	sst s6  }
0xf: {  	[smem:$0x3FB6] =	sst s7  }
0x10: {  	[smem:$0x3FB7] =	sst s8  }
0x11: {  	[smem:$0x3FB8] =	sst s9;
	s0 =	simm.s32 @!p0 $0x0  }
0x12: {  	s1 =	sld [smem:$0x3F9E];
	s0 =	simm.s32 @p0 $0x1  }
0x13: {  	[smem:$0x3FB9] =	sst s0;
	s0 =	simm.s32 @!p1 $0x0  }
0x14: {  	s2 =	sld [smem:$0x3F9D];
	s0 =	simm.s32 @p1 $0x1  }
0x15: {  	[smem:$0x3FBA] =	sst s0;
	s0 =	simm.s32 @!p2 $0x0  }
0x16: {  	s3 =	sld [smem:$0x3FDB];
	s0 =	simm.s32 @p2 $0x1  }
0x17: {  	s4 =	simm.s32 $0x1BF5;
	[smem:$0x3FBC] =	sst s0  }
0x18: {  	s0 =	sld [smem:$0x3F9F];
	_ =	swait.ge [sflag:s4], $0x0  }
0x19: {  	s7 =	sld [smem:$0x3FA0]  }
0x1a: {  	s8 =	sadd.s32 $0xFFFFE003, lr  }
0x1b: {  	s9 =	sadd.s32 $0xFFFFFEF7, lr;
	s5 =	simm.s32 $0xFFFFFFFF;
	p2 =	slt.u32 s8, $0xFFFFF086  }
0x1c: {  	p1 =	slt.u32 s9, $0xF7A;
	s5 =	simm.s32 @!p2 $0x0  }
0x1d: {  	s5 =	simm.s32 @p1 $0x1;
	p0 =	seq.s32 s7, s2  }
0x1e: {  	s7 =	smul.u32 @!p0 $0xF7A, s2;
	p2 =	seq.s32 @!p0 s5, $0x0  }
0x1f: {  	s9 =	smul.u32 $0xF7A, s1;
	s8 =	simm.s32 @!p0 $0x1BF5;
	p2 =	por !p2, p0  }
0x20: {  	[sflag:s8] =	ssyncset.s32 @!p0 $0xFFFFF086;
	s6 =	sadd.s32 @!p0 s3, s7;
	s7 =	simm.s32 @!p0 $0x108  }
0x21: {  	s3 =	sadd.s32 s3, s9;
	s6 =	sadd.s32 @!p0 $0x88, s6;
	s7 =	simm.s32 @p2 $0x1082  }
0x22: {  	[simem:s7], [sflag:s8] =	dma.local @!p0 [hbm:s6], $0xF7A  }
0x23: {  	s9 =	sor.u32 $0xD0000000, s2;
	s6 =	simm.s32 $0x108;
	_ =	swait.ge @!p0 [sflag:s8], $0x0  }
0x24: {  	s3 =	sadd.s32 $0x88, s3;
	s6 =	simm.s32 @!p1 $0x1082;
	[sflag:s4] =	ssyncset.s32 $0xFFFFF086  }
0x25: {  	[simem:s6], [sflag:s4] =	dma.local [hbm:s3], $0xF7A  }
0x26: {  	[smem:$0x3FA0] =	sst s1;
	(tag) =	ssettag s2;
	_ =	strace s9  }
0x27: {  	s1 =	sld [smem:$0x3FB0]  }
0x28: {  	s2 =	sld [smem:$0x3FB1]  }
0x29: {  	s4 =	sld [smem:$0x3FB3]  }
0x2a: {  	p0 =	seq.s32 s5, $0x0;
	s5 =	sld [smem:$0x3FB4]  }
0x2b: {  	s6 =	sld [smem:$0x3FB5]  }
0x2c: {  	s7 =	sld [smem:$0x3FB6]  }
0x2d: {  	s3 =	simm.s32 $0x108;
	s8 =	sld [smem:$0x3FB7]  }
0x2e: {  	s3 =	simm.s32 @!p0 $0x1082;
	s9 =	sld [smem:$0x3FB8]  }
0x2f: {  	lr =	sadd.s32 s0, s3;
	s0 =	sld [smem:$0x3FAF]  }
0x30: {  	s3 =	sld [smem:$0x3FB2]  }
0x31: {  	[smem:$0x3FBB] =	sst s10  }
0x32: {  	s10 =	sld [smem:$0x3FB9];
	_ =	sdelay $0x3  }
0x33: {  	p0 =	seq.s32 s10, $0x1;
	s10 =	sld [smem:$0x3FBB];
	_ =	sdelay $0x3  }
0x34: {  	[smem:$0x3FBB] =	sst s10  }
0x35: {  	s10 =	sld [smem:$0x3FBA];
	_ =	sdelay $0x3  }
0x36: {  	p1 =	seq.s32 s10, $0x1;
	s10 =	sld [smem:$0x3FBB];
	_ =	sdelay $0x3  }
0x37: {  	[smem:$0x3FBB] =	sst s10  }
0x38: {  	s10 =	sld [smem:$0x3FBC]  }
0x39: {  	_ = 	snop;
	(pc) =	sbr.ind lr, $3  }
0x3a: {  	_ = 	snop  }
0x3b: {  	_ = 	snop  }
0x3c: {  	p2 =	seq.s32 s10, $0x1;
	s10 =	sld [smem:$0x3FBB]  }
0x3d: {  	_ =	shalt  }
0x3e: {  	_ =	shalt  }
0x3f: {  	_ =	shalt  }
0x40: {  	_ =	shalt  }
0x41: {  	_ =	shalt  }
0x42: {  	_ =	shalt  }
0x43: {  	_ =	shalt  }
0x44: {  	_ =	shalt  }
0x45: {  	_ =	shalt  }
0x46: {  	_ =	shalt  }
0x47: {  	_ =	shalt  }
0x48: {  	_ =	shalt  }
0x49: {  	_ =	shalt  }
0x4a: {  	_ =	shalt  }
0x4b: {  	_ =	shalt  }
0x4c: {  	_ =	shalt  }
0x4d: {  	_ =	shalt  }
0x4e: {  	_ =	shalt  }
0x4f: {  	_ =	shalt  }
0x50: {  	_ =	shalt  }
0x51: {  	_ =	shalt  }
0x52: {  	_ =	shalt  }
0x53: {  	_ =	shalt  }
0x54: {  	_ =	shalt  }
0x55: {  	_ =	shalt  }
0x56: {  	_ =	shalt  }
0x57: {  	_ =	shalt  }
0x58: {  	_ =	shalt  }
0x59: {  	_ =	shalt  }
0x5a: {  	_ =	shalt  }
0x5b: {  	_ =	shalt  }
0x5c: {  	_ =	shalt  }
0x5d: {  	_ =	shalt  }
0x5e: {  	_ =	shalt  }
0x5f: {  	_ =	shalt  }
0x60: {  	_ =	shalt  }
0x61: {  	_ =	shalt  }
0x62: {  	_ =	shalt  }
0x63: {  	_ =	shalt  }
0x64: {  	_ =	shalt  }
0x65: {  	_ =	shalt  }
0x66: {  	_ =	shalt  }
0x67: {  	_ =	shalt  }
0x68: {  	_ =	shalt  }
0x69: {  	_ =	shalt  }
0x6a: {  	_ =	shalt  }
0x6b: {  	_ =	shalt  }
0x6c: {  	_ =	shalt  }
0x6d: {  	_ =	shalt  }
0x6e: {  	_ =	shalt  }
0x6f: {  	_ =	shalt  }
0x70: {  	_ =	shalt  }
0x71: {  	_ =	shalt  }
0x72: {  	_ =	shalt  }
0x73: {  	_ =	shalt  }
0x74: {  	_ =	shalt  }
0x75: {  	_ =	shalt  }
0x76: {  	_ =	shalt  }
0x77: {  	_ =	shalt  }
0x78: {  	_ =	shalt  }
0x79: {  	_ =	shalt  }
0x7a: {  	_ =	shalt  }
0x7b: {  	_ =	shalt  }
0x7c: {  	_ =	shalt  }
0x7d: {  	_ =	shalt  }
0x7e: {  	_ =	shalt  }
0x7f: {  	_ =	shalt  }
0x80: {  	_ =	shalt  }
0x81: {  	_ =	shalt  }
0x82: {  	_ =	shalt  }
0x83: {  	_ =	shalt  }
0x84: {  	_ =	shalt  }
0x85: {  	_ =	shalt  }
0x86: {  	_ =	shalt  }
0x87: {  	_ =	shalt  }
.Lfunc_end0:
.L_simem_size_0:
called_computation_lowered:
.L_overlay_start_0:
0x88: {  	s2 =	sld [smem:$0x3FD9]  }
0x89: {  	s3 =	sld [smem:$0x3FFE];
	_ =	sdelay $0x1  }
0x8a: {  	s1 =	srdreg.scid  }
0x8b: {  	s0 =	sand.u32 $0x1, s1  }
0x8c: {  	s18 =	sshll.u32 s0, $0xA;
	s2 =	sadd.s32 s3, s2  }
0x8d: {  	s2 =	sadd.s32 s2, s18  }
0x8e: {  	[smem:$0x3FC7] =	sst s2  }
0x8f: {  	_ = 	snop  }
0x90: {  	s2 =	sld [smem:$0x3FC9]  }
0x91: {  	s19 =	sld [smem:$0x3FD0];
	(tm) =	ssettm $0x1  }
0x92: {  	s4 =	sld [smem:$0x3FFB];
	_ =	sdelay $0x3  }
0x93: {  	_ =	strace s4  }
0x94: {  	s4 =	sld [smem:$0x3FFC];
	_ =	sdelay $0x3  }
0x95: {  	_ =	strace s4  }
0x96: {  	s4 =	sld [smem:$0x3FFD];
	_ =	sdelay $0x3  }
0x97: {  	_ =	strace s4  }
0x98: {  	_ =	strace $0x8FFFFFFF  }
0x99: {  	s20 =	sld [smem:$0x3FDB];
	_ =	sdelay $0x1  }
0x9a: {  	s5 =	simm.s32 $_scs_section_size  }
0x9b: {  	s6 =	simm.s32 $_size__tile_overlayer_lowered;
	s7 =	simm.s32 $_tile_overlayer_lowered  }
0x9c: {  	s23 =	simm.s32 $0x1BFF;
	s22 =	sshll.u32 s7, $0x1;
	s4 =	sadd.s32 s5, s20  }
0x9d: {  	s8 =	simm.s32 $0x0;
	s21 =	sshll.u32 s6, $0x1;
	s6 =	sadd.s32 s22, s4  }
0x9e: {  	[timem:s8], [sflag:s23] =	dma.local [hbm:s6], s21  }
0x9f: {  	_ =	swait.ge [sflag:s23], s21  }
0xa0: {  	s5 =	ssub.s32 $0x0, s21;
	[sflag:s23] =	ssyncset.done $0x0  }
0xa1: {  	[sflag:s23] =	ssyncadd.s32 s5;
	_ =	sdelay $0x1  }
0xa2: {  	s24 =	simm.s32 $0x1B8B  }
0xa3: {  	_ =	swait.ge [sflag:s24], $0x1  }
0xa4: {  	[sflag:s24] =	ssyncset.done $0x0  }
0xa5: {  	s25 =	simm.s32 $0x1B8E;
	[sflag:s24] =	ssyncadd.s32 $0xFFFFFFFF  }
0xa6: {  	s26 =	simm.s32 $execute0_lowered;
	[smem:$0x3FD2] =	sst s25  }
0xa7: {  	s5 =	sshll.u32 s26, $0x1;
	_ =	strace $0x80000046;
	[dreg:$0x1] =	wrdreg $0xFFFFFFFF  }
0xa8: {  	s28 =	simm.s32 $_size_execute0_lowered;
	s4 =	sadd.s32 s4, s5;
	[dreg:$0x0] =	wrdreg $0x0  }
0xa9: {  	s5 =	sshll.u32 s28, $0x1;
	[dreg:$0x2] =	wrdreg s4  }
0xaa: {  	[dreg:$0x3] =	wrdreg s5  }
0xab: {  	[dreg:$0x4] =	wrdreg $0xC0  }
0xac: {  	_ =	task [dreg:s8], $0x5FFFF  }
0xad: {  	[dreg:$0x1] =	wrdreg $0xFFFFFFFF  }
0xae: {  	[dreg:$0x0] =	wrdreg $0x60  }
0xaf: {  	[dreg:$0x2] =	wrdreg s2  }
0xb0: {  	[dreg:$0x3] =	wrdreg s19  }
0xb1: {  	[dreg:$0x4] =	wrdreg $0x0  }
0xb2: {  	[dreg:$0x5] =	wrdreg $0x9  }
0xb3: {  	_ =	task.clear_ibuf [dreg:s8], $0x6FFFF;
	_ =	strace $0x90000046  }
0xb4: {  	s29 =	simm.s32 $0x9;
	_ =	strace $0x80000048  }
0xb5: {  	_ =	swait.ge [sflag:s29], $0x1  }
0xb6: {  	[sflag:s29] =	ssyncadd.s32 $0xFFFFFFFF  }
0xb7: {  	_ =	strace $0x90000048  }
0xb8: {  	_ =	sfence  }
0xb9: {  	s30 =	sld [smem:$0x0];
	_ =	sdelay $0x2  }
0xba: {  	s31 =	sshll.u32 s1, $0xD;
	s1 =	sshrl.u32 s1, $0x2  }
0xbb: {  	s3 =	sand.u32 $0x4000, s31;
	s1 =	sadd.s32 s1, s30  }
0xbc: {  	s0 =	sor.u32 s3, s0;
	s1 =	sshll.u32 s1, $0x11  }
0xbd: {  	s0 =	sor.u32 s1, s0  }
0xbe: {  	s0 =	sadd.s32 $0x8F2B, s0  }
0xbf: {  	[sflag:s0] =	ssyncadd.remote.s32 $0x1  }
0xc0: {  	_ =	sfence.sel $0xFFFF  }
0xc1: {  	[dreg:$0x0] =	wrdreg $0xFFFFFFFF;
	(pc) =	sbr.abs _section_cstart, $3  }
0xc2: {  	[dreg:$0x1] =	wrdreg $0xFFFFFFFF  }
0xc3: {  	_ =	task.clear_ibuf [dreg:s8], $0x2FFFF;
	_ =	strace $0x9FFFFFFF  }
0xc4: {  	(tm) =	ssettm $0x7FFFFFFF  }
0xc5: {  	_ =	shalt  }
tec
execute0_lowered:
.L_overlay_start_1:
0x0: {  	(tag) =	ssettag $0x1  }
0x1: {  	s1 =	rddreg [dreg:$0x0]  }
0x2: {  	s0 =	rddreg [dreg:$0x1];
	s3 =	srdreg.scid  }
0x3: {  	s2 =	rddreg [dreg:$0x2];
	s14 =	stileid.u32;
	s4 =	sand.u32 $0x1, s3  }
0x4: {  	s16 =	simm.s32 $0x0;
	s5 =	sshll.u32 s14, $0x10;
	s6 =	sshll.u32 s4, $0xF  }
0x5: {  	s28 =	simm.s32 $0xA;
	[smem:$0x7FF] =	sst s16;
	s3 =	sor.u32 s6, s5  }
0x6: {  	s29 =	simm.s32 $0x6;
	_ =	strace $0x80000047;
	s5 =	sadd.s32 s1, s3  }
0x7: {  	s6 =	sor.u32 $0x800, s3;
	s23 =	sadd.s32 s0, s3;
	[dreg:$0x4] =	wrdreg s5  }
0x8: {  	s7 =	sor.u32 $0x1000, s3;
	s17 =	sadd.s32 s1, s6;
	[dreg:$0xb] =	wrdreg s23  }
0x9: {  	s8 =	sor.u32 $0x1800, s3;
	s18 =	sadd.s32 s1, s7;
	[dreg:$0x5] =	wrdreg s17  }
0xa: {  	s9 =	sor.u32 $0x2000, s3;
	s19 =	sadd.s32 s1, s8;
	[dreg:$0x6] =	wrdreg s18  }
0xb: {  	s10 =	sor.u32 $0x2800, s3;
	s20 =	sadd.s32 s1, s9;
	[dreg:$0x7] =	wrdreg s19  }
0xc: {  	s11 =	sor.u32 $0x3000, s3;
	s21 =	sadd.s32 s1, s10;
	[dreg:$0x8] =	wrdreg s20  }
0xd: {  	s12 =	sor.u32 $0x3800, s3;
	s22 =	sadd.s32 s1, s11;
	[dreg:$0x9] =	wrdreg s21  }
0xe: {  	p0 =	por $0x0, $0x0;
	s24 =	sadd.s32 s1, s12;
	[dreg:$0xa] =	wrdreg s22  }
0xf: {  	s30 =	sshll.u32 s14, $0x6;
	s25 =	sadd.s32 s0, s6;
	[dreg:$0xc] =	wrdreg s24  }
0x10: {  	s4 =	ssub.s32 $0x2, s4;
	s31 =	sadd.s32 s0, s7;
	[dreg:$0xd] =	wrdreg s25  }
0x11: {  	s16 =	sor.u32 $0x5000, s3;
	s15 =	sadd.s32 s0, s8;
	[dreg:$0xf] =	wrdreg s31  }
0x12: {  	s6 =	sor.u32 $0x4000, s3;
	s23 =	sadd.s32 s0, s11;
	[dreg:$0x11] =	wrdreg s15  }
0x13: {  	s7 =	sor.u32 $0x4800, s3;
	s26 =	sadd.s32 s1, s6;
	[dreg:$0x17] =	wrdreg s23  }
0x14: {  	s11 =	simm.s32 $0x1;
	s13 =	sadd.s32 s1, s7;
	[dreg:$0xe] =	wrdreg s26  }
0x15: {  	s8 =	simm.s32 $0xC;
	s17 =	sadd.s32 s1, s16;
	[dreg:$0x10] =	wrdreg s13  }
0x16: {  	s18 =	sadd.s32 s0, s9;
	s9 =	sor.u32 $0x5800, s3;
	[dreg:$0x12] =	wrdreg s17  }
0x17: {  	s20 =	sadd.s32 s0, s10;
	s10 =	sor.u32 $0x6000, s3;
	[dreg:$0x13] =	wrdreg s18  }
0x18: {  	s21 =	smul.u32 $0x70000, s14;
	s6 =	sadd.s32 s0, s6;
	[dreg:$0x15] =	wrdreg s20  }
0x19: {  	s24 =	sor.u32 $0x6800, s3;
	s16 =	sadd.s32 s0, s16;
	[dreg:$0x1b] =	wrdreg s6  }
0x1a: {  	s31 =	sor.u32 $0x7000, s3;
	s19 =	sadd.s32 s1, s9;
	[dreg:$0x1e] =	wrdreg s16  }
0x1b: {  	s3 =	sor.u32 $0x7800, s3;
	s22 =	sadd.s32 s1, s10;
	[dreg:$0x14] =	wrdreg s19  }
0x1c: {  	s14 =	sor.u32 $0x1C01, s30;
	s25 =	sadd.s32 s1, s24;
	[dreg:$0x16] =	wrdreg s22  }
0x1d: {  	s13 =	sshrl.u32 s4, $0x1;
	s26 =	sadd.s32 s0, s12;
	[dreg:$0x18] =	wrdreg s25  }
0x1e: {  	s5 =	sadd.s32 s1, s31;
	s1 =	sadd.s32 s1, s3;
	[dreg:$0x19] =	wrdreg s26  }
0x1f: {  	s23 =	sadd.s32 s0, s24;
	s6 =	simm.s32 $0xD;
	[dreg:$0x1a] =	wrdreg s5  }
0x20: {  	s4 =	ssub.s32 s4, s13;
	s13 =	sshrl.u32 s21, $0x2;
	[dreg:$0x1c] =	wrdreg s1  }
0x21: {  	s19 =	sadd.s32 s0, s9;
	s21 =	sadd.s32 s0, s10;
	[smem:$0x7FB] =	sst s23  }
0x22: {  	s25 =	sadd.s32 s0, s31;
	s10 =	simm.s32 $0x2;
	s23 =	simm.s32 $0x4  }
0x23: {  	s9 =	simm.s32 $0xB;
	s5 =	simm.s32 $0xE;
	[dreg:$0x1f] =	wrdreg s19  }
0x24: {  	s17 =	sadd.s32 s13, s2;
	s13 =	sadd.s32 s0, s7;
	[smem:$0x7FA] =	sst s21  }
0x25: {  	[smem:$0x7FC] =	sst s25;
	s0 =	sadd.s32 s0, s3;
	s31 =	smax.u32 s4, $0x1  }
0x26: {  	s3 =	simm.s32 $0x8;
	s2 =	simm.s32 $0x9;
	s21 =	rddreg [dreg:$0x4]  }
0x27: {  	s15 =	sadd.s32 $0x4000, s17;
	[dreg:$0x1d] =	wrdreg s13;
	s18 =	sadd.s32 $0x8000, s17  }
0x28: {  	s20 =	sadd.s32 $0xC000, s17;
	s22 =	sadd.s32 $0x10000, s17;
	p1 =	sne.s32 s31, $0x1  }
.Ltmp0:
0x29: {  	s24 =	sadd.s32 $0x14000, s17;
	s26 =	sadd.s32 $0x18000, s17;
	(pc) =	sbr.rel @!p1 .LBB2_5-.Ltmp0, $4  }
0x2a: {  	[smem:$0x7FD] =	sst s0;
	s0 =	sadd.s32 $0xFFFFFFFF, s31;
	s17 =	sshrl.u32 s17, $0x3  }
0x2b: {  	s4 =	sshrl.u32 s15, $0x3;
	s13 =	sshrl.u32 s18, $0x3;
	s19 =	sshrl.u32 s20, $0x3  }
0x2c: {  	s16 =	sshrl.u32 s22, $0x3;
	s15 =	sshrl.u32 s24, $0x3;
	s12 =	sshrl.u32 s26, $0x3  }
0x2d: {  	s24 =	simm.s32 $0x3;
	s22 =	simm.s32 $0x5;
	s18 =	simm.s32 $0x7  }
0x2e: {  	[spmem:s17], [sflag:s14] =	dma.local [hbm:s21], $0x800  }
0x2f: {  	[smem:$0x7F9] =	sst s0  }
0x30: {  	s31 =	sor.u32 $0x1C02, s30;
	s20 =	rddreg [dreg:$0x5]  }
0x31: {  	[spmem:s4], [sflag:s31] =	dma.local [hbm:s20], $0x800  }
0x32: {  	s26 =	sor.u32 $0x1C03, s30;
	s0 =	rddreg [dreg:$0x6]  }
0x33: {  	[spmem:s13], [sflag:s26] =	dma.local [hbm:s0], $0x800  }
0x34: {  	s5 =	sor.u32 $0x1C04, s30;
	s0 =	rddreg [dreg:$0x7]  }
0x35: {  	[spmem:s19], [sflag:s5] =	dma.local [hbm:s0], $0x800  }
0x36: {  	s6 =	sor.u32 $0x1C05, s30;
	s0 =	rddreg [dreg:$0x8]  }
0x37: {  	[spmem:s16], [sflag:s6] =	dma.local [hbm:s0], $0x800  }
0x38: {  	s7 =	sor.u32 $0x1C06, s30;
	s0 =	rddreg [dreg:$0x9]  }
0x39: {  	[spmem:s15], [sflag:s7] =	dma.local [hbm:s0], $0x800  }
0x3a: {  	[smem:$0x7F0] =	sst s14  }
0x3b: {  	s14 =	sor.u32 $0x1C07, s30;
	s0 =	rddreg [dreg:$0xa]  }
0x3c: {  	[spmem:s12], [sflag:s14] =	dma.local [hbm:s0], $0x800  }
0x3d: {  	_ =	swait.ge [sflag:s11], $0x800  }
0x3e: {  	s21 =	sor.u32 $0x1C08, s30;
	s1 =	rddreg [dreg:$0xb];
	[sflag:s11] =	ssyncset.done $0x0  }
0x3f: {  	[smem:$0x7F1] =	sst s21;
	[sflag:s11] =	ssyncadd.s32 $0xFFFFF800  }
0x40: {  	[hbm:s1], [sflag:s21] =	dma.local [spmem:s17], $0x800  }
0x41: {  	_ =	swait.ge [sflag:s3], $0x800  }
0x42: {  	s18 =	sld [smem:$0x7F0]  }
0x43: {  	[sflag:s3] =	ssyncset.done $0x0  }
0x44: {  	s25 =	rddreg [dreg:$0xc];
	[sflag:s3] =	ssyncadd.s32 $0xFFFFF800  }
0x45: {  	[spmem:s17], [sflag:s18] =	dma.local [hbm:s25], $0x800  }
0x46: {  	_ =	swait.ge [sflag:s10], $0x800  }
0x47: {  	[sflag:s10] =	ssyncset.done $0x0  }
0x48: {  	s1 =	sor.u32 $0x1C09, s30;
	s0 =	rddreg [dreg:$0xd];
	[sflag:s10] =	ssyncadd.s32 $0xFFFFF800  }
0x49: {  	[hbm:s0], [sflag:s1] =	dma.local [spmem:s4], $0x800  }
0x4a: {  	_ =	swait.ge [sflag:s2], $0x800  }
0x4b: {  	[sflag:s2] =	ssyncset.done $0x0  }
0x4c: {  	s20 =	rddreg [dreg:$0xe];
	[sflag:s2] =	ssyncadd.s32 $0xFFFFF800  }
0x4d: {  	[spmem:s4], [sflag:s31] =	dma.local [hbm:s20], $0x800  }
0x4e: {  	_ =	swait.ge [sflag:s24], $0x800  }
0x4f: {  	[sflag:s24] =	ssyncset.done $0x0  }
0x50: {  	s20 =	sor.u32 $0x1C0A, s30;
	s25 =	rddreg [dreg:$0xf];
	[sflag:s24] =	ssyncadd.s32 $0xFFFFF800  }
0x51: {  	[hbm:s25], [sflag:s20] =	dma.local [spmem:s13], $0x800  }
0x52: {  	_ =	swait.ge [sflag:s28], $0x800  }
0x53: {  	s0 =	rddreg [dreg:$0x10];
	[sflag:s28] =	ssyncset.done $0x0  }
0x54: {  	[smem:$0x7EA] =	sst s26;
	[sflag:s28] =	ssyncadd.s32 $0xFFFFF800  }
0x55: {  	[spmem:s13], [sflag:s26] =	dma.local [hbm:s0], $0x800  }
0x56: {  	_ =	swait.ge [sflag:s23], $0x800  }
0x57: {  	[sflag:s23] =	ssyncset.done $0x0  }
0x58: {  	s26 =	sor.u32 $0x1C0B, s30;
	s24 =	rddreg [dreg:$0x11];
	[sflag:s23] =	ssyncadd.s32 $0xFFFFF800  }
0x59: {  	[hbm:s24], [sflag:s26] =	dma.local [spmem:s19], $0x800  }
0x5a: {  	_ =	swait.ge [sflag:s9], $0x800  }
0x5b: {  	s25 =	rddreg [dreg:$0x12];
	[sflag:s9] =	ssyncset.done $0x0  }
0x5c: {  	[smem:$0x7EB] =	sst s5;
	[sflag:s9] =	ssyncadd.s32 $0xFFFFF800  }
0x5d: {  	[spmem:s19], [sflag:s5] =	dma.local [hbm:s25], $0x800  }
0x5e: {  	_ =	swait.ge [sflag:s22], $0x800  }
0x5f: {  	[sflag:s22] =	ssyncset.done $0x0  }
0x60: {  	s0 =	rddreg [dreg:$0x13];
	[sflag:s22] =	ssyncadd.s32 $0xFFFFF800;
	s22 =	sor.u32 $0x1C0C, s30  }
0x61: {  	[hbm:s0], [sflag:s22] =	dma.local [spmem:s16], $0x800  }
0x62: {  	_ =	swait.ge [sflag:s8], $0x800  }
0x63: {  	s0 =	rddreg [dreg:$0x14];
	[sflag:s8] =	ssyncset.done $0x0  }
0x64: {  	[smem:$0x7EC] =	sst s6;
	[sflag:s8] =	ssyncadd.s32 $0xFFFFF800  }
0x65: {  	[spmem:s16], [sflag:s6] =	dma.local [hbm:s0], $0x800  }
0x66: {  	s6 =	simm.s32 $0xD;
	_ =	swait.ge [sflag:s29], $0x800  }
0x67: {  	s0 =	smov.u32 s13;
	s13 =	smov.u32 s12;
	[sflag:s29] =	ssyncset.done $0x0  }
0x68: {  	s12 =	sor.u32 $0x1C0D, s30;
	s21 =	rddreg [dreg:$0x15];
	[sflag:s29] =	ssyncadd.s32 $0xFFFFF800  }
0x69: {  	[hbm:s21], [sflag:s12] =	dma.local [spmem:s15], $0x800  }
0x6a: {  	_ =	swait.ge [sflag:s6], $0x800  }
0x6b: {  	s21 =	rddreg [dreg:$0x16];
	[sflag:s6] =	ssyncset.done $0x0  }
0x6c: {  	s18 =	simm.s32 $0x7;
	[smem:$0x7ED] =	sst s7;
	[sflag:s6] =	ssyncadd.s32 $0xFFFFF800  }
0x6d: {  	[spmem:s15], [sflag:s7] =	dma.local [hbm:s21], $0x800  }
0x6e: {  	_ =	swait.ge [sflag:s18], $0x800  }
0x6f: {  	s5 =	simm.s32 $0xE;
	s21 =	rddreg [dreg:$0x17];
	[sflag:s18] =	ssyncset.done $0x0  }
0x70: {  	s7 =	sor.u32 $0x1C0E, s30;
	[smem:$0x7EE] =	sst s30;
	[sflag:s18] =	ssyncadd.s32 $0xFFFFF800  }
0x71: {  	[hbm:s21], [sflag:s7] =	dma.local [spmem:s13], $0x800  }
0x72: {  	_ =	swait.ge [sflag:s5], $0x800  }
0x73: {  	s30 =	rddreg [dreg:$0x18];
	[sflag:s5] =	ssyncset.done $0x0  }
0x74: {  	[smem:$0x7EF] =	sst s14;
	[sflag:s5] =	ssyncadd.s32 $0xFFFFF800  }
0x75: {  	[spmem:s13], [sflag:s14] =	dma.local [hbm:s30], $0x800  }
0x76: {  	s14 =	sld [smem:$0x7F0];
	_ =	swait.ge [sflag:s11], $0x800  }
0x77: {  	s30 =	sld [smem:$0x7F1]  }
0x78: {  	[sflag:s11] =	ssyncset.done $0x0  }
0x79: {  	s21 =	rddreg [dreg:$0x19];
	[sflag:s11] =	ssyncadd.s32 $0xFFFFF800  }
0x7a: {  	[hbm:s21], [sflag:s30] =	dma.local [spmem:s17], $0x800  }
0x7b: {  	_ =	swait.ge [sflag:s3], $0x800  }
0x7c: {  	[sflag:s3] =	ssyncset.done $0x0  }
0x7d: {  	s21 =	rddreg [dreg:$0x1a];
	[sflag:s3] =	ssyncadd.s32 $0xFFFFF800  }
0x7e: {  	[spmem:s17], [sflag:s14] =	dma.local [hbm:s21], $0x800  }
0x7f: {  	_ =	swait.ge [sflag:s10], $0x800  }
0x80: {  	[sflag:s10] =	ssyncset.done $0x0  }
0x81: {  	s21 =	rddreg [dreg:$0x1b];
	[sflag:s10] =	ssyncadd.s32 $0xFFFFF800  }
0x82: {  	[hbm:s21], [sflag:s1] =	dma.local [spmem:s4], $0x800  }
0x83: {  	_ =	swait.ge [sflag:s2], $0x800  }
0x84: {  	s21 =	rddreg [dreg:$0x1c];
	[sflag:s2] =	ssyncset.done $0x0  }
0x85: {  	s25 =	simm.s32 $0x3;
	[smem:$0x7F2] =	sst s31;
	[sflag:s2] =	ssyncadd.s32 $0xFFFFF800  }
0x86: {  	[spmem:s4], [sflag:s31] =	dma.local [hbm:s21], $0x800  }
0x87: {  	_ =	swait.ge [sflag:s25], $0x800  }
0x88: {  	s21 =	rddreg [dreg:$0x1d];
	[sflag:s25] =	ssyncset.done $0x0  }
0x89: {  	s24 =	simm.s32 $0x4;
	[smem:$0x7F3] =	sst s20;
	[sflag:s25] =	ssyncadd.s32 $0xFFFFF800  }
0x8a: {  	[hbm:s21], [sflag:s20] =	dma.local [spmem:s0], $0x800  }
0x8b: {  	_ =	swait.ge [sflag:s24], $0x800  }
0x8c: {  	s20 =	rddreg [dreg:$0x1e];
	[sflag:s24] =	ssyncset.done $0x0  }
0x8d: {  	s23 =	simm.s32 $0x5;
	[smem:$0x7F4] =	sst s26;
	[sflag:s24] =	ssyncadd.s32 $0xFFFFF800  }
0x8e: {  	[hbm:s20], [sflag:s26] =	dma.local [spmem:s19], $0x800  }
0x8f: {  	_ =	swait.ge [sflag:s23], $0x800  }
0x90: {  	s20 =	rddreg [dreg:$0x1f];
	[sflag:s23] =	ssyncset.done $0x0  }
0x91: {  	s29 =	simm.s32 $0x6;
	[smem:$0x7F5] =	sst s22;
	[sflag:s23] =	ssyncadd.s32 $0xFFFFF800  }
0x92: {  	[hbm:s20], [sflag:s22] =	dma.local [spmem:s16], $0x800  }
0x93: {  	_ =	swait.ge [sflag:s29], $0x800  }
0x94: {  	s26 =	sld [smem:$0x7FA]  }
0x95: {  	[sflag:s29] =	ssyncset.done $0x0  }
0x96: {  	[smem:$0x7F6] =	sst s12;
	[sflag:s29] =	ssyncadd.s32 $0xFFFFF800  }
0x97: {  	[hbm:s26], [sflag:s12] =	dma.local [spmem:s15], $0x800  }
0x98: {  	_ =	swait.ge [sflag:s18], $0x800  }
0x99: {  	s20 =	sld [smem:$0x7FB]  }
0x9a: {  	[sflag:s18] =	ssyncset.done $0x0  }
0x9b: {  	[smem:$0x7F7] =	sst s7;
	[sflag:s18] =	ssyncadd.s32 $0xFFFFF800  }
0x9c: {  	[hbm:s20], [sflag:s7] =	dma.local [spmem:s13], $0x800  }
0x9d: {  	_ =	swait.ge [sflag:s11], $0x800  }
0x9e: {  	s22 =	sld [smem:$0x7FC]  }
0x9f: {  	[sflag:s11] =	ssyncset.done $0x0  }
0xa0: {  	[sflag:s11] =	ssyncadd.s32 $0xFFFFF800  }
0xa1: {  	[hbm:s22], [sflag:s30] =	dma.local [spmem:s17], $0x800  }
0xa2: {  	_ =	swait.ge [sflag:s10], $0x800  }
0xa3: {  	s26 =	sld [smem:$0x7FD]  }
0xa4: {  	[sflag:s10] =	ssyncset.done $0x0  }
0xa5: {  	s28 =	simm.s32 $0xA;
	[smem:$0x7F8] =	sst s1;
	[sflag:s10] =	ssyncadd.s32 $0xFFFFF800  }
0xa6: {  	[hbm:s26], [sflag:s1] =	dma.local [spmem:s4], $0x800  }
0xa7: {  	_ =	swait.ge [sflag:s28], $0x800  }
0xa8: {  	[sflag:s28] =	ssyncset.done $0x0  }
0xa9: {  	s9 =	simm.s32 $0xB;
	[sflag:s28] =	ssyncadd.s32 $0xFFFFF800  }
0xaa: {  	_ =	swait.ge [sflag:s9], $0x800  }
0xab: {  	[sflag:s9] =	ssyncset.done $0x0  }
0xac: {  	s8 =	simm.s32 $0xC;
	[sflag:s9] =	ssyncadd.s32 $0xFFFFF800  }
0xad: {  	_ =	swait.ge [sflag:s8], $0x800  }
0xae: {  	[sflag:s8] =	ssyncset.done $0x0  }
0xaf: {  	[sflag:s8] =	ssyncadd.s32 $0xFFFFF800  }
0xb0: {  	_ =	swait.ge [sflag:s6], $0x800  }
0xb1: {  	[sflag:s6] =	ssyncset.done $0x0  }
0xb2: {  	[sflag:s6] =	ssyncadd.s32 $0xFFFFF800  }
0xb3: {  	_ =	swait.ge [sflag:s5], $0x800  }
0xb4: {  	[sflag:s5] =	ssyncset.done $0x0  }
0xb5: {  	[sflag:s5] =	ssyncadd.s32 $0xFFFFF800  }
0xb6: {  	_ =	swait.ge [sflag:s3], $0x800  }
0xb7: {  	s30 =	sld [smem:$0x7F9];
	_ =	sdelay $0x2  }
0xb8: {  	p1 =	sne.s32 s30, $0x1  }
.Ltmp1:
0xb9: {  	_ = 	snop;
	(pc) =	sbr.rel @!p1 .LBB2_2-.Ltmp1, $4  }
0xba: {  	[sflag:s3] =	ssyncset.done $0x0  }
0xbb: {  	[sflag:s3] =	ssyncadd.s32 $0xFFFFF800  }
0xbc: {  	p0 =	por $0x1, $0x1;
	s12 =	smov.u32 s13;
	_ =	swait.ge [sflag:s2], $0x800  }
0xbd: {  	s31 =	sadd.s32 $0xFFFFFFFF, s30;
	s21 =	rddreg [dreg:$0x4];
	[sflag:s2] =	ssyncset.done $0x0  }
.LBB2_3:
0xbe: {  	[sflag:s2] =	ssyncadd.s32 $0xFFFFF800  }
0xbf: {  	[spmem:s17], [sflag:s14] =	dma.local [hbm:s21], $0x800  }
0xc0: {  	s30 =	sld [smem:$0x7F2];
	_ =	sdelay $0x1  }
0xc1: {  	s21 =	rddreg [dreg:$0x5]  }
0xc2: {  	[spmem:s4], [sflag:s30] =	dma.local [hbm:s21], $0x800  }
0xc3: {  	s26 =	sld [smem:$0x7EA];
	_ =	sdelay $0x1  }
0xc4: {  	s21 =	rddreg [dreg:$0x6]  }
0xc5: {  	[spmem:s0], [sflag:s26] =	dma.local [hbm:s21], $0x800  }
0xc6: {  	s5 =	sld [smem:$0x7EB];
	_ =	sdelay $0x1  }
0xc7: {  	s21 =	rddreg [dreg:$0x7]  }
0xc8: {  	[spmem:s19], [sflag:s5] =	dma.local [hbm:s21], $0x800  }
0xc9: {  	s6 =	sld [smem:$0x7EC];
	_ =	sdelay $0x1  }
0xca: {  	s21 =	rddreg [dreg:$0x8]  }
0xcb: {  	[spmem:s16], [sflag:s6] =	dma.local [hbm:s21], $0x800  }
0xcc: {  	s7 =	sld [smem:$0x7ED];
	_ =	sdelay $0x1  }
0xcd: {  	s21 =	rddreg [dreg:$0x9]  }
0xce: {  	[spmem:s15], [sflag:s7] =	dma.local [hbm:s21], $0x800  }
0xcf: {  	s14 =	sld [smem:$0x7EF];
	_ =	sdelay $0x1  }
0xd0: {  	s21 =	rddreg [dreg:$0xa]  }
0xd1: {  	[spmem:s12], [sflag:s14] =	dma.local [hbm:s21], $0x800  }
0xd2: {  	_ =	swait.ge [sflag:s11], $0x800  }
0xd3: {  	s1 =	sld [smem:$0x7F1]  }
0xd4: {  	[sflag:s11] =	ssyncset.done $0x0  }
0xd5: {  	s2 =	rddreg [dreg:$0xb];
	[sflag:s11] =	ssyncadd.s32 $0xFFFFF800  }
0xd6: {  	[hbm:s2], [sflag:s1] =	dma.local [spmem:s17], $0x800  }
0xd7: {  	_ =	swait.ge [sflag:s3], $0x800  }
0xd8: {  	s18 =	sld [smem:$0x7F0]  }
0xd9: {  	[sflag:s3] =	ssyncset.done $0x0  }
0xda: {  	s12 =	rddreg [dreg:$0xc];
	[sflag:s3] =	ssyncadd.s32 $0xFFFFF800  }
0xdb: {  	[spmem:s17], [sflag:s18] =	dma.local [hbm:s12], $0x800  }
0xdc: {  	_ =	swait.ge [sflag:s10], $0x800  }
0xdd: {  	s2 =	sld [smem:$0x7F8]  }
0xde: {  	[sflag:s10] =	ssyncset.done $0x0  }
0xdf: {  	s3 =	simm.s32 $0x9;
	s20 =	rddreg [dreg:$0xd];
	[sflag:s10] =	ssyncadd.s32 $0xFFFFF800  }
0xe0: {  	[hbm:s20], [sflag:s2] =	dma.local [spmem:s4], $0x800  }
0xe1: {  	_ =	swait.ge [sflag:s3], $0x800  }
0xe2: {  	[sflag:s3] =	ssyncset.done $0x0  }
0xe3: {  	s22 =	rddreg [dreg:$0xe];
	[sflag:s3] =	ssyncadd.s32 $0xFFFFF800  }
0xe4: {  	[spmem:s4], [sflag:s30] =	dma.local [hbm:s22], $0x800  }
0xe5: {  	_ =	swait.ge [sflag:s25], $0x800  }
0xe6: {  	s20 =	sld [smem:$0x7F3]  }
0xe7: {  	[sflag:s25] =	ssyncset.done $0x0  }
0xe8: {  	s12 =	rddreg [dreg:$0xf];
	[sflag:s25] =	ssyncadd.s32 $0xFFFFF800  }
0xe9: {  	[hbm:s12], [sflag:s20] =	dma.local [spmem:s0], $0x800  }
0xea: {  	_ =	swait.ge [sflag:s28], $0x800  }
0xeb: {  	[sflag:s28] =	ssyncset.done $0x0  }
0xec: {  	s22 =	rddreg [dreg:$0x10];
	[sflag:s28] =	ssyncadd.s32 $0xFFFFF800  }
0xed: {  	[spmem:s0], [sflag:s26] =	dma.local [hbm:s22], $0x800  }
0xee: {  	_ =	swait.ge [sflag:s24], $0x800  }
0xef: {  	s26 =	sld [smem:$0x7F4]  }
0xf0: {  	[sflag:s24] =	ssyncset.done $0x0  }
0xf1: {  	s12 =	rddreg [dreg:$0x11];
	[sflag:s24] =	ssyncadd.s32 $0xFFFFF800  }
0xf2: {  	[hbm:s12], [sflag:s26] =	dma.local [spmem:s19], $0x800  }
0xf3: {  	_ =	swait.ge [sflag:s9], $0x800  }
0xf4: {  	[sflag:s9] =	ssyncset.done $0x0  }
0xf5: {  	s22 =	rddreg [dreg:$0x12];
	[sflag:s9] =	ssyncadd.s32 $0xFFFFF800  }
0xf6: {  	[spmem:s19], [sflag:s5] =	dma.local [hbm:s22], $0x800  }
0xf7: {  	_ =	swait.ge [sflag:s23], $0x800  }
0xf8: {  	s22 =	sld [smem:$0x7F5]  }
0xf9: {  	[sflag:s23] =	ssyncset.done $0x0  }
0xfa: {  	s12 =	rddreg [dreg:$0x13];
	[sflag:s23] =	ssyncadd.s32 $0xFFFFF800  }
0xfb: {  	[hbm:s12], [sflag:s22] =	dma.local [spmem:s16], $0x800  }
0xfc: {  	_ =	swait.ge [sflag:s8], $0x800  }
0xfd: {  	[sflag:s8] =	ssyncset.done $0x0  }
0xfe: {  	s12 =	rddreg [dreg:$0x14];
	[sflag:s8] =	ssyncadd.s32 $0xFFFFF800  }
0xff: {  	[spmem:s16], [sflag:s6] =	dma.local [hbm:s12], $0x800  }
0x100: {  	_ =	swait.ge [sflag:s29], $0x800  }
0x101: {  	s12 =	sld [smem:$0x7F6]  }
0x102: {  	[sflag:s29] =	ssyncset.done $0x0  }
0x103: {  	s6 =	simm.s32 $0xD;
	s21 =	rddreg [dreg:$0x15];
	[sflag:s29] =	ssyncadd.s32 $0xFFFFF800  }
0x104: {  	[hbm:s21], [sflag:s12] =	dma.local [spmem:s15], $0x800  }
0x105: {  	_ =	swait.ge [sflag:s6], $0x800  }
0x106: {  	[sflag:s6] =	ssyncset.done $0x0  }
0x107: {  	s18 =	simm.s32 $0x7;
	s21 =	rddreg [dreg:$0x16];
	[sflag:s6] =	ssyncadd.s32 $0xFFFFF800  }
0x108: {  	[spmem:s15], [sflag:s7] =	dma.local [hbm:s21], $0x800  }
0x109: {  	_ =	swait.ge [sflag:s18], $0x800  }
0x10a: {  	s7 =	sld [smem:$0x7F7]  }
0x10b: {  	[sflag:s18] =	ssyncset.done $0x0  }
0x10c: {  	s5 =	simm.s32 $0xE;
	s21 =	rddreg [dreg:$0x17];
	[sflag:s18] =	ssyncadd.s32 $0xFFFFF800  }
0x10d: {  	[hbm:s21], [sflag:s7] =	dma.local [spmem:s13], $0x800  }
0x10e: {  	_ =	swait.ge [sflag:s5], $0x800  }
0x10f: {  	[sflag:s5] =	ssyncset.done $0x0  }
0x110: {  	s21 =	rddreg [dreg:$0x18];
	[sflag:s5] =	ssyncadd.s32 $0xFFFFF800  }
0x111: {  	[spmem:s13], [sflag:s14] =	dma.local [hbm:s21], $0x800  }
0x112: {  	s14 =	sld [smem:$0x7F0];
	_ =	swait.ge [sflag:s11], $0x800  }
0x113: {  	[sflag:s11] =	ssyncset.done $0x0  }
0x114: {  	s10 =	simm.s32 $0x8;
	s21 =	rddreg [dreg:$0x19];
	[sflag:s11] =	ssyncadd.s32 $0xFFFFF800  }
0x115: {  	[hbm:s21], [sflag:s1] =	dma.local [spmem:s17], $0x800  }
0x116: {  	_ =	swait.ge [sflag:s10], $0x800  }
0x117: {  	[sflag:s10] =	ssyncset.done $0x0  }
0x118: {  	s21 =	rddreg [dreg:$0x1a];
	[sflag:s10] =	ssyncadd.s32 $0xFFFFF800;
	s10 =	simm.s32 $0x2  }
0x119: {  	[spmem:s17], [sflag:s14] =	dma.local [hbm:s21], $0x800  }
0x11a: {  	_ =	swait.ge [sflag:s10], $0x800  }
0x11b: {  	[sflag:s10] =	ssyncset.done $0x0  }
0x11c: {  	s21 =	rddreg [dreg:$0x1b];
	[sflag:s10] =	ssyncadd.s32 $0xFFFFF800  }
0x11d: {  	[hbm:s21], [sflag:s2] =	dma.local [spmem:s4], $0x800  }
0x11e: {  	_ =	swait.ge [sflag:s3], $0x800  }
0x11f: {  	[sflag:s3] =	ssyncset.done $0x0  }
0x120: {  	s21 =	rddreg [dreg:$0x1c];
	[sflag:s3] =	ssyncadd.s32 $0xFFFFF800  }
0x121: {  	[spmem:s4], [sflag:s30] =	dma.local [hbm:s21], $0x800  }
0x122: {  	_ =	swait.ge [sflag:s25], $0x800  }
0x123: {  	[sflag:s25] =	ssyncset.done $0x0  }
0x124: {  	s30 =	rddreg [dreg:$0x1d];
	[sflag:s25] =	ssyncadd.s32 $0xFFFFF800  }
0x125: {  	[hbm:s30], [sflag:s20] =	dma.local [spmem:s0], $0x800  }
0x126: {  	_ =	swait.ge [sflag:s24], $0x800  }
0x127: {  	[sflag:s24] =	ssyncset.done $0x0  }
0x128: {  	s20 =	rddreg [dreg:$0x1e];
	[sflag:s24] =	ssyncadd.s32 $0xFFFFF800  }
0x129: {  	[hbm:s20], [sflag:s26] =	dma.local [spmem:s19], $0x800  }
0x12a: {  	_ =	swait.ge [sflag:s23], $0x800  }
0x12b: {  	[sflag:s23] =	ssyncset.done $0x0  }
0x12c: {  	s30 =	rddreg [dreg:$0x1f];
	[sflag:s23] =	ssyncadd.s32 $0xFFFFF800  }
0x12d: {  	[hbm:s30], [sflag:s22] =	dma.local [spmem:s16], $0x800  }
0x12e: {  	_ =	swait.ge [sflag:s29], $0x800  }
0x12f: {  	s20 =	sld [smem:$0x7FA]  }
0x130: {  	[sflag:s29] =	ssyncset.done $0x0  }
0x131: {  	[sflag:s29] =	ssyncadd.s32 $0xFFFFF800  }
0x132: {  	[hbm:s20], [sflag:s12] =	dma.local [spmem:s15], $0x800  }
0x133: {  	_ =	swait.ge [sflag:s18], $0x800  }
0x134: {  	s22 =	sld [smem:$0x7FB]  }
0x135: {  	[sflag:s18] =	ssyncset.done $0x0  }
0x136: {  	[sflag:s18] =	ssyncadd.s32 $0xFFFFF800  }
0x137: {  	[hbm:s22], [sflag:s7] =	dma.local [spmem:s13], $0x800  }
0x138: {  	_ =	swait.ge [sflag:s11], $0x800  }
0x139: {  	s26 =	sld [smem:$0x7FC]  }
0x13a: {  	[sflag:s11] =	ssyncset.done $0x0  }
0x13b: {  	[sflag:s11] =	ssyncadd.s32 $0xFFFFF800  }
0x13c: {  	[hbm:s26], [sflag:s1] =	dma.local [spmem:s17], $0x800  }
0x13d: {  	_ =	swait.ge [sflag:s10], $0x800  }
0x13e: {  	s30 =	sld [smem:$0x7FD]  }
0x13f: {  	[sflag:s10] =	ssyncset.done $0x0  }
0x140: {  	[sflag:s10] =	ssyncadd.s32 $0xFFFFF800  }
0x141: {  	[hbm:s30], [sflag:s2] =	dma.local [spmem:s4], $0x800  }
0x142: {  	_ =	swait.ge [sflag:s28], $0x800  }
0x143: {  	[sflag:s28] =	ssyncset.done $0x0  }
0x144: {  	[sflag:s28] =	ssyncadd.s32 $0xFFFFF800  }
0x145: {  	_ =	swait.ge [sflag:s9], $0x800  }
0x146: {  	[sflag:s9] =	ssyncset.done $0x0  }
0x147: {  	[sflag:s9] =	ssyncadd.s32 $0xFFFFF800  }
0x148: {  	_ =	swait.ge [sflag:s8], $0x800  }
0x149: {  	[sflag:s8] =	ssyncset.done $0x0  }
0x14a: {  	[sflag:s8] =	ssyncadd.s32 $0xFFFFF800  }
0x14b: {  	_ =	swait.ge [sflag:s6], $0x800  }
0x14c: {  	[sflag:s6] =	ssyncset.done $0x0  }
0x14d: {  	[sflag:s6] =	ssyncadd.s32 $0xFFFFF800  }
0x14e: {  	_ =	swait.ge [sflag:s5], $0x800  }
0x14f: {  	[sflag:s5] =	ssyncset.done $0x0  }
0x150: {  	p1 =	sne.s32 s31, $0x1;
	s3 =	simm.s32 $0x8;
	[sflag:s5] =	ssyncadd.s32 $0xFFFFF800  }
.Ltmp2:
0x151: {  	_ =	swait.ge [sflag:s3], $0x800;
	(pc) =	sbr.rel @p1 .LBB2_3-.Ltmp2, $4  }
0x152: {  	[sflag:s3] =	ssyncset.done $0x0  }
0x153: {  	s2 =	simm.s32 $0x9;
	[sflag:s3] =	ssyncadd.s32 $0xFFFFF800  }
0x154: {  	s31 =	sadd.s32 $0xFFFFFFFF, s31;
	_ =	swait.ge [sflag:s2], $0x800  }
0x155: {  	s12 =	smov.u32 s13;
	s21 =	rddreg [dreg:$0x4];
	[sflag:s2] =	ssyncset.done $0x0  }
0x156: {  	s30 =	sld [smem:$0x7EE];
	s22 =	simm.s32 $0x5  }
0x157: {  	s23 =	simm.s32 $0x4;
	s24 =	simm.s32 $0x3;
	s13 =	smov.u32 s0  }
.LBB2_5:
0x158: {  	[sflag:s2] =	ssyncadd.s32 @p0 $0xFFFFF800  }
0x159: {  	[spmem:s17], [sflag:s14] =	dma.local [hbm:s21], $0x800  }
0x15a: {  	s7 =	sor.u32 $0x1C02, s30;
	s0 =	rddreg [dreg:$0x5]  }
0x15b: {  	[spmem:s4], [sflag:s7] =	dma.local [hbm:s0], $0x800  }
0x15c: {  	[smem:$0x7E9] =	sst s7  }
0x15d: {  	s29 =	sor.u32 $0x1C03, s30;
	s0 =	rddreg [dreg:$0x6]  }
0x15e: {  	[spmem:s13], [sflag:s29] =	dma.local [hbm:s0], $0x800  }
0x15f: {  	s21 =	sor.u32 $0x1C04, s30;
	s0 =	rddreg [dreg:$0x7]  }
0x160: {  	[spmem:s19], [sflag:s21] =	dma.local [hbm:s0], $0x800  }
0x161: {  	s31 =	sor.u32 $0x1C05, s30;
	s0 =	rddreg [dreg:$0x8]  }
0x162: {  	[spmem:s16], [sflag:s31] =	dma.local [hbm:s0], $0x800  }
0x163: {  	s28 =	sor.u32 $0x1C06, s30;
	s0 =	rddreg [dreg:$0x9]  }
0x164: {  	[spmem:s15], [sflag:s28] =	dma.local [hbm:s0], $0x800  }
0x165: {  	s25 =	sor.u32 $0x1C07, s30;
	s0 =	rddreg [dreg:$0xa]  }
0x166: {  	[spmem:s12], [sflag:s25] =	dma.local [hbm:s0], $0x800  }
0x167: {  	_ =	swait.ge [sflag:s11], $0x800  }
0x168: {  	s8 =	sor.u32 $0x1C08, s30;
	s1 =	rddreg [dreg:$0xb];
	[sflag:s11] =	ssyncset.done $0x0  }
0x169: {  	[smem:$0x7E7] =	sst s8;
	[sflag:s11] =	ssyncadd.s32 $0xFFFFF800  }
0x16a: {  	[hbm:s1], [sflag:s8] =	dma.local [spmem:s17], $0x800  }
0x16b: {  	_ =	swait.ge [sflag:s3], $0x800  }
0x16c: {  	[sflag:s3] =	ssyncset.done $0x0  }
0x16d: {  	s9 =	rddreg [dreg:$0xc];
	[sflag:s3] =	ssyncadd.s32 $0xFFFFF800  }
0x16e: {  	[spmem:s17], [sflag:s14] =	dma.local [hbm:s9], $0x800  }
0x16f: {  	_ =	swait.ge [sflag:s10], $0x800  }
0x170: {  	s20 =	sor.u32 $0x1C09, s30;
	s26 =	rddreg [dreg:$0xd];
	[sflag:s10] =	ssyncset.done $0x0  }
0x171: {  	[smem:$0x7E8] =	sst s20;
	[sflag:s10] =	ssyncadd.s32 $0xFFFFF800  }
0x172: {  	[hbm:s26], [sflag:s20] =	dma.local [spmem:s4], $0x800  }
0x173: {  	_ =	swait.ge [sflag:s2], $0x800  }
0x174: {  	[sflag:s2] =	ssyncset.done $0x0  }
0x175: {  	s1 =	rddreg [dreg:$0xe];
	[sflag:s2] =	ssyncadd.s32 $0xFFFFF800  }
0x176: {  	[spmem:s4], [sflag:s7] =	dma.local [hbm:s1], $0x800  }
0x177: {  	_ =	swait.ge [sflag:s24], $0x800  }
0x178: {  	s9 =	simm.s32 $0xA;
	[sflag:s24] =	ssyncset.done $0x0  }
0x179: {  	s26 =	sor.u32 $0x1C0A, s30;
	s7 =	rddreg [dreg:$0xf];
	[sflag:s24] =	ssyncadd.s32 $0xFFFFF800  }
0x17a: {  	[hbm:s7], [sflag:s26] =	dma.local [spmem:s13], $0x800  }
0x17b: {  	_ =	swait.ge [sflag:s9], $0x800  }
0x17c: {  	[sflag:s9] =	ssyncset.done $0x0  }
0x17d: {  	s8 =	rddreg [dreg:$0x10];
	[sflag:s9] =	ssyncadd.s32 $0xFFFFF800  }
0x17e: {  	[spmem:s13], [sflag:s29] =	dma.local [hbm:s8], $0x800  }
0x17f: {  	_ =	swait.ge [sflag:s23], $0x800  }
0x180: {  	s29 =	sor.u32 $0x1C0B, s30;
	[sflag:s23] =	ssyncset.done $0x0  }
0x181: {  	s8 =	simm.s32 $0xB;
	s20 =	rddreg [dreg:$0x11];
	[sflag:s23] =	ssyncadd.s32 $0xFFFFF800  }
0x182: {  	[hbm:s20], [sflag:s29] =	dma.local [spmem:s19], $0x800  }
0x183: {  	_ =	swait.ge [sflag:s8], $0x800  }
0x184: {  	[sflag:s8] =	ssyncset.done $0x0  }
0x185: {  	s1 =	rddreg [dreg:$0x12];
	[sflag:s8] =	ssyncadd.s32 $0xFFFFF800  }
0x186: {  	[spmem:s19], [sflag:s21] =	dma.local [hbm:s1], $0x800  }
0x187: {  	_ =	swait.ge [sflag:s22], $0x800  }
0x188: {  	[sflag:s22] =	ssyncset.done $0x0  }
0x189: {  	s1 =	sor.u32 $0x1C0C, s30;
	s7 =	rddreg [dreg:$0x13];
	[sflag:s22] =	ssyncadd.s32 $0xFFFFF800  }
0x18a: {  	[hbm:s7], [sflag:s1] =	dma.local [spmem:s16], $0x800  }
0x18b: {  	s7 =	simm.s32 $0xC  }
0x18c: {  	_ =	swait.ge [sflag:s7], $0x800  }
0x18d: {  	[sflag:s7] =	ssyncset.done $0x0  }
0x18e: {  	s20 =	rddreg [dreg:$0x14];
	[sflag:s7] =	ssyncadd.s32 $0xFFFFF800  }
0x18f: {  	[spmem:s16], [sflag:s31] =	dma.local [hbm:s20], $0x800  }
0x190: {  	s20 =	simm.s32 $0x6  }
0x191: {  	_ =	swait.ge [sflag:s20], $0x800  }
0x192: {  	[sflag:s20] =	ssyncset.done $0x0  }
0x193: {  	s31 =	sor.u32 $0x1C0D, s30;
	s21 =	rddreg [dreg:$0x15];
	[sflag:s20] =	ssyncadd.s32 $0xFFFFF800  }
0x194: {  	[hbm:s21], [sflag:s31] =	dma.local [spmem:s15], $0x800  }
0x195: {  	_ =	swait.ge [sflag:s6], $0x800  }
0x196: {  	[sflag:s6] =	ssyncset.done $0x0  }
0x197: {  	s21 =	rddreg [dreg:$0x16];
	[sflag:s6] =	ssyncadd.s32 $0xFFFFF800  }
0x198: {  	[spmem:s15], [sflag:s28] =	dma.local [hbm:s21], $0x800  }
0x199: {  	_ =	swait.ge [sflag:s18], $0x800  }
0x19a: {  	[sflag:s18] =	ssyncset.done $0x0  }
0x19b: {  	s28 =	sor.u32 $0x1C0E, s30;
	s21 =	rddreg [dreg:$0x17];
	[sflag:s18] =	ssyncadd.s32 $0xFFFFF800  }
0x19c: {  	[hbm:s21], [sflag:s28] =	dma.local [spmem:s12], $0x800  }
0x19d: {  	_ =	swait.ge [sflag:s5], $0x800  }
0x19e: {  	[sflag:s5] =	ssyncset.done $0x0  }
0x19f: {  	s21 =	rddreg [dreg:$0x18];
	[sflag:s5] =	ssyncadd.s32 $0xFFFFF800  }
0x1a0: {  	[spmem:s12], [sflag:s25] =	dma.local [hbm:s21], $0x800  }
0x1a1: {  	_ =	swait.ge [sflag:s11], $0x800  }
0x1a2: {  	s21 =	sld [smem:$0x7E7]  }
0x1a3: {  	[sflag:s11] =	ssyncset.done $0x0  }
0x1a4: {  	s30 =	rddreg [dreg:$0x19];
	[sflag:s11] =	ssyncadd.s32 $0xFFFFF800  }
0x1a5: {  	[hbm:s30], [sflag:s21] =	dma.local [spmem:s17], $0x800  }
0x1a6: {  	_ =	swait.ge [sflag:s3], $0x800  }
0x1a7: {  	[sflag:s3] =	ssyncset.done $0x0  }
0x1a8: {  	s25 =	rddreg [dreg:$0x1a];
	[sflag:s3] =	ssyncadd.s32 $0xFFFFF800  }
0x1a9: {  	[spmem:s17], [sflag:s14] =	dma.local [hbm:s25], $0x800  }
0x1aa: {  	_ =	swait.ge [sflag:s10], $0x800  }
0x1ab: {  	s14 =	sld [smem:$0x7E8]  }
0x1ac: {  	[sflag:s10] =	ssyncset.done $0x0  }
0x1ad: {  	s30 =	rddreg [dreg:$0x1b];
	[sflag:s10] =	ssyncadd.s32 $0xFFFFF800  }
0x1ae: {  	[hbm:s30], [sflag:s14] =	dma.local [spmem:s4], $0x800  }
0x1af: {  	_ =	swait.ge [sflag:s2], $0x800  }
0x1b0: {  	s30 =	sld [smem:$0x7E9]  }
0x1b1: {  	[sflag:s2] =	ssyncset.done $0x0  }
0x1b2: {  	s25 =	rddreg [dreg:$0x1c];
	[sflag:s2] =	ssyncadd.s32 $0xFFFFF800  }
0x1b3: {  	[spmem:s4], [sflag:s30] =	dma.local [hbm:s25], $0x800  }
0x1b4: {  	_ =	swait.ge [sflag:s24], $0x800  }
0x1b5: {  	[sflag:s24] =	ssyncset.done $0x0  }
0x1b6: {  	s30 =	rddreg [dreg:$0x1d];
	[sflag:s24] =	ssyncadd.s32 $0xFFFFF800  }
0x1b7: {  	[hbm:s30], [sflag:s26] =	dma.local [spmem:s13], $0x800  }
0x1b8: {  	_ =	swait.ge [sflag:s23], $0x800  }
0x1b9: {  	[sflag:s23] =	ssyncset.done $0x0  }
0x1ba: {  	s13 =	rddreg [dreg:$0x1e];
	[sflag:s23] =	ssyncadd.s32 $0xFFFFF800  }
0x1bb: {  	[hbm:s13], [sflag:s29] =	dma.local [spmem:s19], $0x800  }
0x1bc: {  	_ =	swait.ge [sflag:s22], $0x800  }
0x1bd: {  	[sflag:s22] =	ssyncset.done $0x0  }
0x1be: {  	s24 =	rddreg [dreg:$0x1f];
	[sflag:s22] =	ssyncadd.s32 $0xFFFFF800  }
0x1bf: {  	[hbm:s24], [sflag:s1] =	dma.local [spmem:s16], $0x800  }
0x1c0: {  	_ =	swait.ge [sflag:s20], $0x800  }
0x1c1: {  	s25 =	sld [smem:$0x7FA]  }
0x1c2: {  	[sflag:s20] =	ssyncset.done $0x0  }
0x1c3: {  	[sflag:s20] =	ssyncadd.s32 $0xFFFFF800  }
0x1c4: {  	[hbm:s25], [sflag:s31] =	dma.local [spmem:s15], $0x800  }
0x1c5: {  	_ =	swait.ge [sflag:s18], $0x800  }
0x1c6: {  	s26 =	sld [smem:$0x7FB]  }
0x1c7: {  	[sflag:s18] =	ssyncset.done $0x0  }
0x1c8: {  	[sflag:s18] =	ssyncadd.s32 $0xFFFFF800  }
0x1c9: {  	[hbm:s26], [sflag:s28] =	dma.local [spmem:s12], $0x800  }
0x1ca: {  	_ =	swait.ge [sflag:s11], $0x800  }
0x1cb: {  	s29 =	sld [smem:$0x7FC]  }
0x1cc: {  	[sflag:s11] =	ssyncset.done $0x0  }
0x1cd: {  	[sflag:s11] =	ssyncadd.s32 $0xFFFFF800  }
0x1ce: {  	[hbm:s29], [sflag:s21] =	dma.local [spmem:s17], $0x800  }
0x1cf: {  	_ =	swait.ge [sflag:s10], $0x800  }
0x1d0: {  	s30 =	sld [smem:$0x7FD]  }
0x1d1: {  	[sflag:s10] =	ssyncset.done $0x0  }
0x1d2: {  	[sflag:s10] =	ssyncadd.s32 $0xFFFFF800  }
0x1d3: {  	[hbm:s30], [sflag:s14] =	dma.local [spmem:s4], $0x800  }
0x1d4: {  	_ =	swait.ge [sflag:s9], $0x800  }
0x1d5: {  	[sflag:s9] =	ssyncset.done $0x0  }
0x1d6: {  	[sflag:s9] =	ssyncadd.s32 $0xFFFFF800  }
0x1d7: {  	_ =	swait.ge [sflag:s8], $0x800  }
0x1d8: {  	[sflag:s8] =	ssyncset.done $0x0  }
0x1d9: {  	[sflag:s8] =	ssyncadd.s32 $0xFFFFF800  }
0x1da: {  	_ =	swait.ge [sflag:s7], $0x800  }
0x1db: {  	[sflag:s7] =	ssyncset.done $0x0  }
0x1dc: {  	[sflag:s7] =	ssyncadd.s32 $0xFFFFF800  }
0x1dd: {  	_ =	swait.ge [sflag:s6], $0x800  }
0x1de: {  	[sflag:s6] =	ssyncset.done $0x0  }
0x1df: {  	[sflag:s6] =	ssyncadd.s32 $0xFFFFF800  }
0x1e0: {  	_ =	swait.ge [sflag:s5], $0x800  }
0x1e1: {  	[sflag:s5] =	ssyncset.done $0x0  }
0x1e2: {  	[sflag:s5] =	ssyncadd.s32 $0xFFFFF800  }
0x1e3: {  	_ =	swait.ge [sflag:s3], $0x800  }
0x1e4: {  	[sflag:s3] =	ssyncset.done $0x0  }
0x1e5: {  	[sflag:s3] =	ssyncadd.s32 $0xFFFFF800  }
0x1e6: {  	_ =	swait.ge [sflag:s2], $0x800  }
0x1e7: {  	[sflag:s2] =	ssyncset.done $0x0  }
0x1e8: {  	[sflag:s2] =	ssyncadd.s32 $0xFFFFF800  }
0x1e9: {  	_ =	sfence.sel $0x180000  }
0x1ea: {  	[bflag:$0x0] =	sbarrier.arrive $0xFFFF  }
0x1eb: {  	_ =	strace $0x90000047  }
0x1ec: {  	s31 =	stileid.u32;
	[bflag:$0x2] =	sbarrier.arrive $0xFFFF  }
0x1ed: {  	p0 =	sne.s32 s31, $0x0;
	s0 =	rddreg [dreg:$0x3]  }
0x1ee: {  	s0 =	sadd.s32 @!p0 $0x100000, s0  }
0x1ef: {  	[sflag:s0] =	ssyncadd.tile.s32 @!p0 $0x1;
	_ =	shalt  }
.LBB2_2:
.Ltmp3:
0x1f0: {  	(pc) =	sbr.rel .LBB2_5-.Ltmp3, $3  }
0x1f1: {  	_ =	sdelay $0x1  }
0x1f2: {  	s30 =	sld [smem:$0x7EE];
	s22 =	simm.s32 $0x5  }
0x1f3: {  	s23 =	simm.s32 $0x4;
	s24 =	simm.s32 $0x3;
	s13 =	smov.u32 s0  }
.Lfunc_end2:
_tile_overlayer_lowered:
.L_overlay_start_2:
0x1f4: {  	(tag) =	ssettag $0x2  }
0x1f5: {  	s0 =	rddreg [dreg:$0x0];
	s2 =	stileid.u32  }
0x1f6: {  	s1 =	rddreg [dreg:$0x1];
	p0 =	sne.s32 s2, $0x0  }
0x1f7: {  	s3 =	rddreg [dreg:$0x2];
	[bflag:$0x3] =	sbarrier.arrive $0xFFFF;
	s2 =	simm.s32 @!p0 $0x1C0F  }
0x1f8: {  	[timem:s3], [sflag:s2] =	dma.local @!p0 [hbm:s0], s1  }
0x1f9: {  	s0 =	simm.s32 @!p0 $0xF  }
0x1fa: {  	_ =	swait.ge @!p0 [sflag:s0], s1  }
0x1fb: {  	s1 =	ssub.s32 @!p0 $0x0, s1;
	[sflag:s0] =	ssyncset.done @!p0 $0x0  }
0x1fc: {  	[sflag:s0] =	ssyncadd.s32 @!p0 s1  }
0x1fd: {  	[bflag:$0x3] =	sbarrier.arrive $0xFFFF  }
0x1fe: {  	_ =	shalt  }

</sc_bundles>
